<compile_context>
chip_gen: v7x
topology: tpu7x:2x2x1
jax: 0.10.2.dev20260603
libtpu: 0.0.44.dev20260713+nightly
codegen_flags: <defaults>
</compile_context>

<pallas_src>
import functools

import jax
import jax.numpy as jnp
from jax import lax
from jax.experimental import pallas as pl
from jax.experimental.pallas import tpu as pltpu
from jax.experimental.pallas import tpu_sc as plsc

_N = 1048576
_NBINS = 15
_NC = 2
_NS = 16
_L = 16
_NW = _NC * _NS
_CHUNK = _N // _NW
_NTAB = 4
_NSUB = 2
_SUB = _CHUNK // _NSUB
_TBL = _L * _L


def _sc_binsum(logits_hbm, targets_hbm, out_hbm, x_v, t_v, acc_v, res_v, sems):
    wid = lax.axis_index("s") * _NC + lax.axis_index("c")
    base = wid * _CHUNK
    copies = []
    for k in range(_NSUB):
        off = base + k * _SUB
        cx = pltpu.async_copy(logits_hbm.at[pl.ds(off, _SUB)],
                              x_v.at[pl.ds(k * _SUB, _SUB)], sems.at[k])
        ct = pltpu.async_copy(targets_hbm.at[pl.ds(off, _SUB)],
                              t_v.at[pl.ds(k * _SUB, _SUB)], sems.at[k])
        copies.append((cx, ct))

    zero = jnp.zeros((_L,), jnp.float32)
    for j in range(_L * _NTAB):
        acc_v[pl.ds(j * _L, _L)] = zero

    lane = lax.iota(jnp.int32, _L)
    lane_u = [lane + jnp.int32(u * _TBL) for u in range(_NTAB)]

    def group(i):
        for u in range(_NTAB):
            off = (i + u) * _L
            x = x_v[pl.ds(off, _L)]
            t = t_v[pl.ds(off, _L)]
            p = 1.0 / (1.0 + jnp.exp(-x))
            bf = jnp.minimum(p * jnp.float32(_NBINS), jnp.float32(_NBINS - 1))
            b = bf.astype(jnp.int32) & (_L - 1)
            d = p - t.astype(jnp.float32)
            plsc.addupdate_scatter(acc_v, [(b * _L) + lane_u[u]], d)

    for k in range(_NSUB):
        copies[k][0].wait()
        copies[k][1].wait()
    plsc.parallel_loop(0, _CHUNK // _L, step=_NTAB, unroll=1)(group)

    for j in range(_L):
        s = acc_v[pl.ds(j * _L, _L)]
        for u in range(1, _NTAB):
            s = s + acc_v[pl.ds(u * _TBL + j * _L, _L)]
        res_v[pl.ds(j * _L, _L)] = s
    pltpu.sync_copy(res_v, out_hbm.at[wid])


_sc_call = functools.partial(
    pl.kernel,
    out_type=jax.ShapeDtypeStruct((_NW, _TBL), jnp.float32),
    mesh=plsc.VectorSubcoreMesh(core_axis_name="c", subcore_axis_name="s"),
    compiler_params=pltpu.CompilerParams(needs_layout_passes=False),
    scratch_types=[
        pltpu.VMEM((_CHUNK,), jnp.float32),
        pltpu.VMEM((_CHUNK,), jnp.int32),
        pltpu.VMEM((_NTAB * _TBL,), jnp.float32),
        pltpu.VMEM((_TBL,), jnp.float32),
        pltpu.SemaphoreType.DMA((_NSUB,)),
    ],
)(_sc_binsum)


def _tc_combine(p_ref, o_ref):
    x = p_ref[...]
    col = lax.broadcasted_iota(jnp.int32, x.shape, 1)
    b = col >> 4
    ece = jnp.float32(0.0)
    for i in range(_NBINS):
        s = jnp.sum(jnp.where(b == i, x, 0.0))
        ece = ece + jnp.abs(s)
    o_ref[0, 0] = ece / jnp.float32(_N)


def kernel(logits, targets):
    if logits.ndim == 2:
        logits = logits[:, 0]
    parts = _sc_call(logits, targets)
    out = pl.pallas_call(
        _tc_combine,
        out_shape=jax.ShapeDtypeStruct((1, 1), jnp.float32),
        out_specs=pl.BlockSpec(memory_space=pltpu.SMEM),
    )(parts)
    return out[0, 0]

# --- scband reference (transcript-rebuilt; emitter-appended) ---
"""Pipeline reference for scband-eceloss-2207613190488 (READ-ONLY COPY).

The authoritative reference and input builder live on the scoring server;
editing this copy changes nothing except your own understanding.
"""

import jax, jax.numpy as jnp
import numpy as np

N = 1048576
N_BINS = 15

def setup_inputs(seed: int = 0) -> dict:
    key = jax.random.key(seed)
    k1, k2 = jax.random.split(key)
    logits = jax.random.normal(k1, (N,), dtype=jnp.float32)
    targets = jax.random.randint(k2, (N,), 0, 2, dtype=jnp.int32)
    return {"logits": logits, "targets": targets}

def reference(logits, targets):
    if logits.ndim == 2:
        logits = logits[:, 0]
    t = targets.astype(jnp.float32)
    probs = jax.nn.sigmoid(logits)
    total = probs.shape[0]
    bin_lowers = jnp.linspace(0.0, 1.0 - 1.0 / N_BINS, N_BINS)
    bin_uppers = jnp.linspace(1.0 / N_BINS, 1.0, N_BINS)
    ece = jnp.zeros((), dtype=jnp.float32)
    for i in range(N_BINS):
        low = bin_lowers[i]
        high = bin_uppers[i]
        mask = ((probs > low) & (probs <= high)).astype(jnp.float32)
        count = mask.sum()
        prop_in_bin = count / total
        safe_count = jnp.maximum(count, 1.0)
        accuracy_in_bin = (t * mask).sum() / safe_count
        avg_confidence = (probs * mask).sum() / safe_count
        ece = ece + jnp.where(count > 0, jnp.abs(avg_confidence - accuracy_in_bin) * prop_in_bin, 0.0)
    return ece

if __name__ == "__main__":
    import jax
    _d = setup_inputs()
    print(jax.jit(kernel)(*tuple(_d.values())))

</pallas_src>

<mosaic_0001>
#map = affine_map<(d0, d1) -> (0)>
#map1 = affine_map<(d0, d1) -> (0, 0)>
module attributes {stable_mosaic.version = 14 : i64} {
  func.func @_sc_binsum(%arg0: i32, %arg1: i32, %arg2: memref<1048576xf32, #tpu.memory_space<hbm>>, %arg3: memref<1048576xi32, #tpu.memory_space<hbm>>, %arg4: memref<32x256xf32, #tpu.memory_space<hbm>>, %arg5: memref<32768xf32, #tpu.memory_space<vmem>>, %arg6: memref<32768xi32, #tpu.memory_space<vmem>>, %arg7: memref<1024xf32, #tpu.memory_space<vmem>>, %arg8: memref<256xf32, #tpu.memory_space<vmem>>, %arg9: memref<2x!tpu.dma_semaphore, #tpu.memory_space<semaphore_mem>>) attributes {dimension_semantics = [#tpu.dimension_semantics<core_parallel>, #tpu.dimension_semantics<subcore_parallel>], iteration_bounds = array<i64: 2, 16>, scalar_prefetch = 0 : i64, scratch_operands = 5 : i64, tpu.core_type = #tpu.core_type<sc_vector_subcore>, window_params = [{transform_indices = #map}, {transform_indices = #map}, {transform_indices = #map1}]} {
    %mul3A = arith.constant 2 : i32
    %mul3A_0 = arith.muli %arg1, %mul3A : i32
    %add3A = arith.addi %mul3A_0, %arg0 : i32
    %mul3A_1 = arith.constant 32768 : i32
    %mul3A_2 = arith.muli %add3A, %mul3A_1 : i32
    %add3A_3 = arith.constant 0 : i32
    %add3A_4 = arith.addi %mul3A_2, %add3A_3 : i32
    %dma_start3A = arith.constant 0 : i32
    %dma_start3A_5 = arith.constant 0 : i32
    %dma_start3A_6 = tpu.memref_slice %arg5[%dma_start3A_5] : memref<32768xf32, #tpu.memory_space<vmem>> -> memref<16384xf32, #tpu.memory_space<vmem>>
    %dma_start3A_7 = tpu.memref_slice %arg2[%add3A_4] : memref<1048576xf32, #tpu.memory_space<hbm>> -> memref<16384xf32, #tpu.memory_space<hbm>>
    %dma_start3A_8 = tpu.memref_slice %arg9[%dma_start3A] : memref<2x!tpu.dma_semaphore, #tpu.memory_space<semaphore_mem>> -> memref<1x!tpu.dma_semaphore, #tpu.memory_space<semaphore_mem>>
    %dma_start3A_9 = tpu.memref_squeeze %dma_start3A_8 : memref<1x!tpu.dma_semaphore, #tpu.memory_space<semaphore_mem>> -> memref<!tpu.dma_semaphore, #tpu.memory_space<semaphore_mem>>
    %dma_start3A_10 = arith.constant 0 : i32
    %dma_start3A_11 = tpu.memref_slice %arg5[%dma_start3A_10] : memref<32768xf32, #tpu.memory_space<vmem>> -> memref<16384xf32, #tpu.memory_space<vmem>>
    %dma_start3A_12 = tpu.memref_slice %arg2[%add3A_4] : memref<1048576xf32, #tpu.memory_space<hbm>> -> memref<16384xf32, #tpu.memory_space<hbm>>
    tpu.enqueue_dma source(%dma_start3A_12 : memref<16384xf32, #tpu.memory_space<hbm>>) target(%dma_start3A_11 : memref<16384xf32, #tpu.memory_space<vmem>>) target_semaphore(%dma_start3A_9 : memref<!tpu.dma_semaphore, #tpu.memory_space<semaphore_mem>>)
    %dma_start3A_13 = arith.constant 0 : i32
    %dma_start3A_14 = arith.constant 0 : i32
    %dma_start3A_15 = tpu.memref_slice %arg6[%dma_start3A_14] : memref<32768xi32, #tpu.memory_space<vmem>> -> memref<16384xi32, #tpu.memory_space<vmem>>
    %dma_start3A_16 = tpu.memref_slice %arg3[%add3A_4] : memref<1048576xi32, #tpu.memory_space<hbm>> -> memref<16384xi32, #tpu.memory_space<hbm>>
    %dma_start3A_17 = tpu.memref_slice %arg9[%dma_start3A_13] : memref<2x!tpu.dma_semaphore, #tpu.memory_space<semaphore_mem>> -> memref<1x!tpu.dma_semaphore, #tpu.memory_space<semaphore_mem>>
    %dma_start3A_18 = tpu.memref_squeeze %dma_start3A_17 : memref<1x!tpu.dma_semaphore, #tpu.memory_space<semaphore_mem>> -> memref<!tpu.dma_semaphore, #tpu.memory_space<semaphore_mem>>
    %dma_start3A_19 = arith.constant 0 : i32
    %dma_start3A_20 = tpu.memref_slice %arg6[%dma_start3A_19] : memref<32768xi32, #tpu.memory_space<vmem>> -> memref<16384xi32, #tpu.memory_space<vmem>>
    %dma_start3A_21 = tpu.memref_slice %arg3[%add3A_4] : memref<1048576xi32, #tpu.memory_space<hbm>> -> memref<16384xi32, #tpu.memory_space<hbm>>
    tpu.enqueue_dma source(%dma_start3A_21 : memref<16384xi32, #tpu.memory_space<hbm>>) target(%dma_start3A_20 : memref<16384xi32, #tpu.memory_space<vmem>>) target_semaphore(%dma_start3A_18 : memref<!tpu.dma_semaphore, #tpu.memory_space<semaphore_mem>>)
    %add3A_22 = arith.constant 16384 : i32
    %add3A_23 = arith.addi %mul3A_2, %add3A_22 : i32
    %dma_start3A_24 = arith.constant 1 : i32
    %dma_start3A_25 = arith.constant 16384 : i32
    %dma_start3A_26 = tpu.memref_slice %arg5[%dma_start3A_25] : memref<32768xf32, #tpu.memory_space<vmem>> -> memref<16384xf32, #tpu.memory_space<vmem>>
    %dma_start3A_27 = tpu.memref_slice %arg2[%add3A_23] : memref<1048576xf32, #tpu.memory_space<hbm>> -> memref<16384xf32, #tpu.memory_space<hbm>>
    %dma_start3A_28 = tpu.memref_slice %arg9[%dma_start3A_24] : memref<2x!tpu.dma_semaphore, #tpu.memory_space<semaphore_mem>> -> memref<1x!tpu.dma_semaphore, #tpu.memory_space<semaphore_mem>>
    %dma_start3A_29 = tpu.memref_squeeze %dma_start3A_28 : memref<1x!tpu.dma_semaphore, #tpu.memory_space<semaphore_mem>> -> memref<!tpu.dma_semaphore, #tpu.memory_space<semaphore_mem>>
    %dma_start3A_30 = arith.constant 16384 : i32
    %dma_start3A_31 = tpu.memref_slice %arg5[%dma_start3A_30] : memref<32768xf32, #tpu.memory_space<vmem>> -> memref<16384xf32, #tpu.memory_space<vmem>>
    %dma_start3A_32 = tpu.memref_slice %arg2[%add3A_23] : memref<1048576xf32, #tpu.memory_space<hbm>> -> memref<16384xf32, #tpu.memory_space<hbm>>
    tpu.enqueue_dma source(%dma_start3A_32 : memref<16384xf32, #tpu.memory_space<hbm>>) target(%dma_start3A_31 : memref<16384xf32, #tpu.memory_space<vmem>>) target_semaphore(%dma_start3A_29 : memref<!tpu.dma_semaphore, #tpu.memory_space<semaphore_mem>>)
    %dma_start3A_33 = arith.constant 1 : i32
    %dma_start3A_34 = arith.constant 16384 : i32
    %dma_start3A_35 = tpu.memref_slice %arg6[%dma_start3A_34] : memref<32768xi32, #tpu.memory_space<vmem>> -> memref<16384xi32, #tpu.memory_space<vmem>>
    %dma_start3A_36 = tpu.memref_slice %arg3[%add3A_23] : memref<1048576xi32, #tpu.memory_space<hbm>> -> memref<16384xi32, #tpu.memory_space<hbm>>
    %dma_start3A_37 = tpu.memref_slice %arg9[%dma_start3A_33] : memref<2x!tpu.dma_semaphore, #tpu.memory_space<semaphore_mem>> -> memref<1x!tpu.dma_semaphore, #tpu.memory_space<semaphore_mem>>
    %dma_start3A_38 = tpu.memref_squeeze %dma_start3A_37 : memref<1x!tpu.dma_semaphore, #tpu.memory_space<semaphore_mem>> -> memref<!tpu.dma_semaphore, #tpu.memory_space<semaphore_mem>>
    %dma_start3A_39 = arith.constant 16384 : i32
    %dma_start3A_40 = tpu.memref_slice %arg6[%dma_start3A_39] : memref<32768xi32, #tpu.memory_space<vmem>> -> memref<16384xi32, #tpu.memory_space<vmem>>
    %dma_start3A_41 = tpu.memref_slice %arg3[%add3A_23] : memref<1048576xi32, #tpu.memory_space<hbm>> -> memref<16384xi32, #tpu.memory_space<hbm>>
    tpu.enqueue_dma source(%dma_start3A_41 : memref<16384xi32, #tpu.memory_space<hbm>>) target(%dma_start3A_40 : memref<16384xi32, #tpu.memory_space<vmem>>) target_semaphore(%dma_start3A_38 : memref<!tpu.dma_semaphore, #tpu.memory_space<semaphore_mem>>)
    %broadcast_in_dim3A = arith.constant 0.000000e+00 : f32
    %broadcast_in_dim3A_42 = vector.broadcast %broadcast_in_dim3A : f32 to vector<16xf32>
    %swap3A = arith.constant 0 : index
    %swap3A_43 = tpu.vector_load %arg7[%swap3A] {strides = array<i32>} : memref<1024xf32, #tpu.memory_space<vmem>>, vector<16xf32>,
    tpu.vector_store %arg7[%swap3A], %broadcast_in_dim3A_42 {strides = array<i32>} : memref<1024xf32, #tpu.memory_space<vmem>>, vector<16xf32>,
    %swap3A_44 = arith.constant 16 : index
    %swap3A_45 = tpu.vector_load %arg7[%swap3A_44] {strides = array<i32>} : memref<1024xf32, #tpu.memory_space<vmem>>, vector<16xf32>,
    tpu.vector_store %arg7[%swap3A_44], %broadcast_in_dim3A_42 {strides = array<i32>} : memref<1024xf32, #tpu.memory_space<vmem>>, vector<16xf32>,
    %swap3A_46 = arith.constant 32 : index
    %swap3A_47 = tpu.vector_load %arg7[%swap3A_46] {strides = array<i32>} : memref<1024xf32, #tpu.memory_space<vmem>>, vector<16xf32>,
    tpu.vector_store %arg7[%swap3A_46], %broadcast_in_dim3A_42 {strides = array<i32>} : memref<1024xf32, #tpu.memory_space<vmem>>, vector<16xf32>,
    %swap3A_48 = arith.constant 48 : index
    %swap3A_49 = tpu.vector_load %arg7[%swap3A_48] {strides = array<i32>} : memref<1024xf32, #tpu.memory_space<vmem>>, vector<16xf32>,
    tpu.vector_store %arg7[%swap3A_48], %broadcast_in_dim3A_42 {strides = array<i32>} : memref<1024xf32, #tpu.memory_space<vmem>>, vector<16xf32>,
    %swap3A_50 = arith.constant 64 : index
    %swap3A_51 = tpu.vector_load %arg7[%swap3A_50] {strides = array<i32>} : memref<1024xf32, #tpu.memory_space<vmem>>, vector<16xf32>,
    tpu.vector_store %arg7[%swap3A_50], %broadcast_in_dim3A_42 {strides = array<i32>} : memref<1024xf32, #tpu.memory_space<vmem>>, vector<16xf32>,
    %swap3A_52 = arith.constant 80 : index
    %swap3A_53 = tpu.vector_load %arg7[%swap3A_52] {strides = array<i32>} : memref<1024xf32, #tpu.memory_space<vmem>>, vector<16xf32>,
    tpu.vector_store %arg7[%swap3A_52], %broadcast_in_dim3A_42 {strides = array<i32>} : memref<1024xf32, #tpu.memory_space<vmem>>, vector<16xf32>,
    %swap3A_54 = arith.constant 96 : index
    %swap3A_55 = tpu.vector_load %arg7[%swap3A_54] {strides = array<i32>} : memref<1024xf32, #tpu.memory_space<vmem>>, vector<16xf32>,
    tpu.vector_store %arg7[%swap3A_54], %broadcast_in_dim3A_42 {strides = array<i32>} : memref<1024xf32, #tpu.memory_space<vmem>>, vector<16xf32>,
    %swap3A_56 = arith.constant 112 : index
    %swap3A_57 = tpu.vector_load %arg7[%swap3A_56] {strides = array<i32>} : memref<1024xf32, #tpu.memory_space<vmem>>, vector<16xf32>,
    tpu.vector_store %arg7[%swap3A_56], %broadcast_in_dim3A_42 {strides = array<i32>} : memref<1024xf32, #tpu.memory_space<vmem>>, vector<16xf32>,
    %swap3A_58 = arith.constant 128 : index
    %swap3A_59 = tpu.vector_load %arg7[%swap3A_58] {strides = array<i32>} : memref<1024xf32, #tpu.memory_space<vmem>>, vector<16xf32>,
    tpu.vector_store %arg7[%swap3A_58], %broadcast_in_dim3A_42 {strides = array<i32>} : memref<1024xf32, #tpu.memory_space<vmem>>, vector<16xf32>,
    %swap3A_60 = arith.constant 144 : index
    %swap3A_61 = tpu.vector_load %arg7[%swap3A_60] {strides = array<i32>} : memref<1024xf32, #tpu.memory_space<vmem>>, vector<16xf32>,
    tpu.vector_store %arg7[%swap3A_60], %broadcast_in_dim3A_42 {strides = array<i32>} : memref<1024xf32, #tpu.memory_space<vmem>>, vector<16xf32>,
    %swap3A_62 = arith.constant 160 : index
    %swap3A_63 = tpu.vector_load %arg7[%swap3A_62] {strides = array<i32>} : memref<1024xf32, #tpu.memory_space<vmem>>, vector<16xf32>,
    tpu.vector_store %arg7[%swap3A_62], %broadcast_in_dim3A_42 {strides = array<i32>} : memref<1024xf32, #tpu.memory_space<vmem>>, vector<16xf32>,
    %swap3A_64 = arith.constant 176 : index
    %swap3A_65 = tpu.vector_load %arg7[%swap3A_64] {strides = array<i32>} : memref<1024xf32, #tpu.memory_space<vmem>>, vector<16xf32>,
    tpu.vector_store %arg7[%swap3A_64], %broadcast_in_dim3A_42 {strides = array<i32>} : memref<1024xf32, #tpu.memory_space<vmem>>, vector<16xf32>,
    %swap3A_66 = arith.constant 192 : index
    %swap3A_67 = tpu.vector_load %arg7[%swap3A_66] {strides = array<i32>} : memref<1024xf32, #tpu.memory_space<vmem>>, vector<16xf32>,
    tpu.vector_store %arg7[%swap3A_66], %broadcast_in_dim3A_42 {strides = array<i32>} : memref<1024xf32, #tpu.memory_space<vmem>>, vector<16xf32>,
    %swap3A_68 = arith.constant 208 : index
    %swap3A_69 = tpu.vector_load %arg7[%swap3A_68] {strides = array<i32>} : memref<1024xf32, #tpu.memory_space<vmem>>, vector<16xf32>,
    tpu.vector_store %arg7[%swap3A_68], %broadcast_in_dim3A_42 {strides = array<i32>} : memref<1024xf32, #tpu.memory_space<vmem>>, vector<16xf32>,
    %swap3A_70 = arith.constant 224 : index
    %swap3A_71 = tpu.vector_load %arg7[%swap3A_70] {strides = array<i32>} : memref<1024xf32, #tpu.memory_space<vmem>>, vector<16xf32>,
    tpu.vector_store %arg7[%swap3A_70], %broadcast_in_dim3A_42 {strides = array<i32>} : memref<1024xf32, #tpu.memory_space<vmem>>, vector<16xf32>,
    %swap3A_72 = arith.constant 240 : index
    %swap3A_73 = tpu.vector_load %arg7[%swap3A_72] {strides = array<i32>} : memref<1024xf32, #tpu.memory_space<vmem>>, vector<16xf32>,
    tpu.vector_store %arg7[%swap3A_72], %broadcast_in_dim3A_42 {strides = array<i32>} : memref<1024xf32, #tpu.memory_space<vmem>>, vector<16xf32>,
    %swap3A_74 = arith.constant 256 : index
    %swap3A_75 = tpu.vector_load %arg7[%swap3A_74] {strides = array<i32>} : memref<1024xf32, #tpu.memory_space<vmem>>, vector<16xf32>,
    tpu.vector_store %arg7[%swap3A_74], %broadcast_in_dim3A_42 {strides = array<i32>} : memref<1024xf32, #tpu.memory_space<vmem>>, vector<16xf32>,
    %swap3A_76 = arith.constant 272 : index
    %swap3A_77 = tpu.vector_load %arg7[%swap3A_76] {strides = array<i32>} : memref<1024xf32, #tpu.memory_space<vmem>>, vector<16xf32>,
    tpu.vector_store %arg7[%swap3A_76], %broadcast_in_dim3A_42 {strides = array<i32>} : memref<1024xf32, #tpu.memory_space<vmem>>, vector<16xf32>,
    %swap3A_78 = arith.constant 288 : index
    %swap3A_79 = tpu.vector_load %arg7[%swap3A_78] {strides = array<i32>} : memref<1024xf32, #tpu.memory_space<vmem>>, vector<16xf32>,
    tpu.vector_store %arg7[%swap3A_78], %broadcast_in_dim3A_42 {strides = array<i32>} : memref<1024xf32, #tpu.memory_space<vmem>>, vector<16xf32>,
    %swap3A_80 = arith.constant 304 : index
    %swap3A_81 = tpu.vector_load %arg7[%swap3A_80] {strides = array<i32>} : memref<1024xf32, #tpu.memory_space<vmem>>, vector<16xf32>,
    tpu.vector_store %arg7[%swap3A_80], %broadcast_in_dim3A_42 {strides = array<i32>} : memref<1024xf32, #tpu.memory_space<vmem>>, vector<16xf32>,
    %swap3A_82 = arith.constant 320 : index
    %swap3A_83 = tpu.vector_load %arg7[%swap3A_82] {strides = array<i32>} : memref<1024xf32, #tpu.memory_space<vmem>>, vector<16xf32>,
    tpu.vector_store %arg7[%swap3A_82], %broadcast_in_dim3A_42 {strides = array<i32>} : memref<1024xf32, #tpu.memory_space<vmem>>, vector<16xf32>,
    %swap3A_84 = arith.constant 336 : index
    %swap3A_85 = tpu.vector_load %arg7[%swap3A_84] {strides = array<i32>} : memref<1024xf32, #tpu.memory_space<vmem>>, vector<16xf32>,
    tpu.vector_store %arg7[%swap3A_84], %broadcast_in_dim3A_42 {strides = array<i32>} : memref<1024xf32, #tpu.memory_space<vmem>>, vector<16xf32>,
    %swap3A_86 = arith.constant 352 : index
    %swap3A_87 = tpu.vector_load %arg7[%swap3A_86] {strides = array<i32>} : memref<1024xf32, #tpu.memory_space<vmem>>, vector<16xf32>,
    tpu.vector_store %arg7[%swap3A_86], %broadcast_in_dim3A_42 {strides = array<i32>} : memref<1024xf32, #tpu.memory_space<vmem>>, vector<16xf32>,
    %swap3A_88 = arith.constant 368 : index
    %swap3A_89 = tpu.vector_load %arg7[%swap3A_88] {strides = array<i32>} : memref<1024xf32, #tpu.memory_space<vmem>>, vector<16xf32>,
    tpu.vector_store %arg7[%swap3A_88], %broadcast_in_dim3A_42 {strides = array<i32>} : memref<1024xf32, #tpu.memory_space<vmem>>, vector<16xf32>,
    %swap3A_90 = arith.constant 384 : index
    %swap3A_91 = tpu.vector_load %arg7[%swap3A_90] {strides = array<i32>} : memref<1024xf32, #tpu.memory_space<vmem>>, vector<16xf32>,
    tpu.vector_store %arg7[%swap3A_90], %broadcast_in_dim3A_42 {strides = array<i32>} : memref<1024xf32, #tpu.memory_space<vmem>>, vector<16xf32>,
    %swap3A_92 = arith.constant 400 : index
    %swap3A_93 = tpu.vector_load %arg7[%swap3A_92] {strides = array<i32>} : memref<1024xf32, #tpu.memory_space<vmem>>, vector<16xf32>,
    tpu.vector_store %arg7[%swap3A_92], %broadcast_in_dim3A_42 {strides = array<i32>} : memref<1024xf32, #tpu.memory_space<vmem>>, vector<16xf32>,
    %swap3A_94 = arith.constant 416 : index
    %swap3A_95 = tpu.vector_load %arg7[%swap3A_94] {strides = array<i32>} : memref<1024xf32, #tpu.memory_space<vmem>>, vector<16xf32>,
    tpu.vector_store %arg7[%swap3A_94], %broadcast_in_dim3A_42 {strides = array<i32>} : memref<1024xf32, #tpu.memory_space<vmem>>, vector<16xf32>,
    %swap3A_96 = arith.constant 432 : index
    %swap3A_97 = tpu.vector_load %arg7[%swap3A_96] {strides = array<i32>} : memref<1024xf32, #tpu.memory_space<vmem>>, vector<16xf32>,
    tpu.vector_store %arg7[%swap3A_96], %broadcast_in_dim3A_42 {strides = array<i32>} : memref<1024xf32, #tpu.memory_space<vmem>>, vector<16xf32>,
    %swap3A_98 = arith.constant 448 : index
    %swap3A_99 = tpu.vector_load %arg7[%swap3A_98] {strides = array<i32>} : memref<1024xf32, #tpu.memory_space<vmem>>, vector<16xf32>,
    tpu.vector_store %arg7[%swap3A_98], %broadcast_in_dim3A_42 {strides = array<i32>} : memref<1024xf32, #tpu.memory_space<vmem>>, vector<16xf32>,
    %swap3A_100 = arith.constant 464 : index
    %swap3A_101 = tpu.vector_load %arg7[%swap3A_100] {strides = array<i32>} : memref<1024xf32, #tpu.memory_space<vmem>>, vector<16xf32>,
    tpu.vector_store %arg7[%swap3A_100], %broadcast_in_dim3A_42 {strides = array<i32>} : memref<1024xf32, #tpu.memory_space<vmem>>, vector<16xf32>,
    %swap3A_102 = arith.constant 480 : index
    %swap3A_103 = tpu.vector_load %arg7[%swap3A_102] {strides = array<i32>} : memref<1024xf32, #tpu.memory_space<vmem>>, vector<16xf32>,
    tpu.vector_store %arg7[%swap3A_102], %broadcast_in_dim3A_42 {strides = array<i32>} : memref<1024xf32, #tpu.memory_space<vmem>>, vector<16xf32>,
    %swap3A_104 = arith.constant 496 : index
    %swap3A_105 = tpu.vector_load %arg7[%swap3A_104] {strides = array<i32>} : memref<1024xf32, #tpu.memory_space<vmem>>, vector<16xf32>,
    tpu.vector_store %arg7[%swap3A_104], %broadcast_in_dim3A_42 {strides = array<i32>} : memref<1024xf32, #tpu.memory_space<vmem>>, vector<16xf32>,
    %swap3A_106 = arith.constant 512 : index
    %swap3A_107 = tpu.vector_load %arg7[%swap3A_106] {strides = array<i32>} : memref<1024xf32, #tpu.memory_space<vmem>>, vector<16xf32>,
    tpu.vector_store %arg7[%swap3A_106], %broadcast_in_dim3A_42 {strides = array<i32>} : memref<1024xf32, #tpu.memory_space<vmem>>, vector<16xf32>,
    %swap3A_108 = arith.constant 528 : index
    %swap3A_109 = tpu.vector_load %arg7[%swap3A_108] {strides = array<i32>} : memref<1024xf32, #tpu.memory_space<vmem>>, vector<16xf32>,
    tpu.vector_store %arg7[%swap3A_108], %broadcast_in_dim3A_42 {strides = array<i32>} : memref<1024xf32, #tpu.memory_space<vmem>>, vector<16xf32>,
    %swap3A_110 = arith.constant 544 : index
    %swap3A_111 = tpu.vector_load %arg7[%swap3A_110] {strides = array<i32>} : memref<1024xf32, #tpu.memory_space<vmem>>, vector<16xf32>,
    tpu.vector_store %arg7[%swap3A_110], %broadcast_in_dim3A_42 {strides = array<i32>} : memref<1024xf32, #tpu.memory_space<vmem>>, vector<16xf32>,
    %swap3A_112 = arith.constant 560 : index
    %swap3A_113 = tpu.vector_load %arg7[%swap3A_112] {strides = array<i32>} : memref<1024xf32, #tpu.memory_space<vmem>>, vector<16xf32>,
    tpu.vector_store %arg7[%swap3A_112], %broadcast_in_dim3A_42 {strides = array<i32>} : memref<1024xf32, #tpu.memory_space<vmem>>, vector<16xf32>,
    %swap3A_114 = arith.constant 576 : index
    %swap3A_115 = tpu.vector_load %arg7[%swap3A_114] {strides = array<i32>} : memref<1024xf32, #tpu.memory_space<vmem>>, vector<16xf32>,
    tpu.vector_store %arg7[%swap3A_114], %broadcast_in_dim3A_42 {strides = array<i32>} : memref<1024xf32, #tpu.memory_space<vmem>>, vector<16xf32>,
    %swap3A_116 = arith.constant 592 : index
    %swap3A_117 = tpu.vector_load %arg7[%swap3A_116] {strides = array<i32>} : memref<1024xf32, #tpu.memory_space<vmem>>, vector<16xf32>,
    tpu.vector_store %arg7[%swap3A_116], %broadcast_in_dim3A_42 {strides = array<i32>} : memref<1024xf32, #tpu.memory_space<vmem>>, vector<16xf32>,
    %swap3A_118 = arith.constant 608 : index
    %swap3A_119 = tpu.vector_load %arg7[%swap3A_118] {strides = array<i32>} : memref<1024xf32, #tpu.memory_space<vmem>>, vector<16xf32>,
    tpu.vector_store %arg7[%swap3A_118], %broadcast_in_dim3A_42 {strides = array<i32>} : memref<1024xf32, #tpu.memory_space<vmem>>, vector<16xf32>,
    %swap3A_120 = arith.constant 624 : index
    %swap3A_121 = tpu.vector_load %arg7[%swap3A_120] {strides = array<i32>} : memref<1024xf32, #tpu.memory_space<vmem>>, vector<16xf32>,
    tpu.vector_store %arg7[%swap3A_120], %broadcast_in_dim3A_42 {strides = array<i32>} : memref<1024xf32, #tpu.memory_space<vmem>>, vector<16xf32>,
    %swap3A_122 = arith.constant 640 : index
    %swap3A_123 = tpu.vector_load %arg7[%swap3A_122] {strides = array<i32>} : memref<1024xf32, #tpu.memory_space<vmem>>, vector<16xf32>,
    tpu.vector_store %arg7[%swap3A_122], %broadcast_in_dim3A_42 {strides = array<i32>} : memref<1024xf32, #tpu.memory_space<vmem>>, vector<16xf32>,
    %swap3A_124 = arith.constant 656 : index
    %swap3A_125 = tpu.vector_load %arg7[%swap3A_124] {strides = array<i32>} : memref<1024xf32, #tpu.memory_space<vmem>>, vector<16xf32>,
    tpu.vector_store %arg7[%swap3A_124], %broadcast_in_dim3A_42 {strides = array<i32>} : memref<1024xf32, #tpu.memory_space<vmem>>, vector<16xf32>,
    %swap3A_126 = arith.constant 672 : index
    %swap3A_127 = tpu.vector_load %arg7[%swap3A_126] {strides = array<i32>} : memref<1024xf32, #tpu.memory_space<vmem>>, vector<16xf32>,
    tpu.vector_store %arg7[%swap3A_126], %broadcast_in_dim3A_42 {strides = array<i32>} : memref<1024xf32, #tpu.memory_space<vmem>>, vector<16xf32>,
    %swap3A_128 = arith.constant 688 : index
    %swap3A_129 = tpu.vector_load %arg7[%swap3A_128] {strides = array<i32>} : memref<1024xf32, #tpu.memory_space<vmem>>, vector<16xf32>,
    tpu.vector_store %arg7[%swap3A_128], %broadcast_in_dim3A_42 {strides = array<i32>} : memref<1024xf32, #tpu.memory_space<vmem>>, vector<16xf32>,
    %swap3A_130 = arith.constant 704 : index
    %swap3A_131 = tpu.vector_load %arg7[%swap3A_130] {strides = array<i32>} : memref<1024xf32, #tpu.memory_space<vmem>>, vector<16xf32>,
    tpu.vector_store %arg7[%swap3A_130], %broadcast_in_dim3A_42 {strides = array<i32>} : memref<1024xf32, #tpu.memory_space<vmem>>, vector<16xf32>,
    %swap3A_132 = arith.constant 720 : index
    %swap3A_133 = tpu.vector_load %arg7[%swap3A_132] {strides = array<i32>} : memref<1024xf32, #tpu.memory_space<vmem>>, vector<16xf32>,
    tpu.vector_store %arg7[%swap3A_132], %broadcast_in_dim3A_42 {strides = array<i32>} : memref<1024xf32, #tpu.memory_space<vmem>>, vector<16xf32>,
    %swap3A_134 = arith.constant 736 : index
    %swap3A_135 = tpu.vector_load %arg7[%swap3A_134] {strides = array<i32>} : memref<1024xf32, #tpu.memory_space<vmem>>, vector<16xf32>,
    tpu.vector_store %arg7[%swap3A_134], %broadcast_in_dim3A_42 {strides = array<i32>} : memref<1024xf32, #tpu.memory_space<vmem>>, vector<16xf32>,
    %swap3A_136 = arith.constant 752 : index
    %swap3A_137 = tpu.vector_load %arg7[%swap3A_136] {strides = array<i32>} : memref<1024xf32, #tpu.memory_space<vmem>>, vector<16xf32>,
    tpu.vector_store %arg7[%swap3A_136], %broadcast_in_dim3A_42 {strides = array<i32>} : memref<1024xf32, #tpu.memory_space<vmem>>, vector<16xf32>,
    %swap3A_138 = arith.constant 768 : index
    %swap3A_139 = tpu.vector_load %arg7[%swap3A_138] {strides = array<i32>} : memref<1024xf32, #tpu.memory_space<vmem>>, vector<16xf32>,
    tpu.vector_store %arg7[%swap3A_138], %broadcast_in_dim3A_42 {strides = array<i32>} : memref<1024xf32, #tpu.memory_space<vmem>>, vector<16xf32>,
    %swap3A_140 = arith.constant 784 : index
    %swap3A_141 = tpu.vector_load %arg7[%swap3A_140] {strides = array<i32>} : memref<1024xf32, #tpu.memory_space<vmem>>, vector<16xf32>,
    tpu.vector_store %arg7[%swap3A_140], %broadcast_in_dim3A_42 {strides = array<i32>} : memref<1024xf32, #tpu.memory_space<vmem>>, vector<16xf32>,
    %swap3A_142 = arith.constant 800 : index
    %swap3A_143 = tpu.vector_load %arg7[%swap3A_142] {strides = array<i32>} : memref<1024xf32, #tpu.memory_space<vmem>>, vector<16xf32>,
    tpu.vector_store %arg7[%swap3A_142], %broadcast_in_dim3A_42 {strides = array<i32>} : memref<1024xf32, #tpu.memory_space<vmem>>, vector<16xf32>,
    %swap3A_144 = arith.constant 816 : index
    %swap3A_145 = tpu.vector_load %arg7[%swap3A_144] {strides = array<i32>} : memref<1024xf32, #tpu.memory_space<vmem>>, vector<16xf32>,
    tpu.vector_store %arg7[%swap3A_144], %broadcast_in_dim3A_42 {strides = array<i32>} : memref<1024xf32, #tpu.memory_space<vmem>>, vector<16xf32>,
    %swap3A_146 = arith.constant 832 : index
    %swap3A_147 = tpu.vector_load %arg7[%swap3A_146] {strides = array<i32>} : memref<1024xf32, #tpu.memory_space<vmem>>, vector<16xf32>,
    tpu.vector_store %arg7[%swap3A_146], %broadcast_in_dim3A_42 {strides = array<i32>} : memref<1024xf32, #tpu.memory_space<vmem>>, vector<16xf32>,
    %swap3A_148 = arith.constant 848 : index
    %swap3A_149 = tpu.vector_load %arg7[%swap3A_148] {strides = array<i32>} : memref<1024xf32, #tpu.memory_space<vmem>>, vector<16xf32>,
    tpu.vector_store %arg7[%swap3A_148], %broadcast_in_dim3A_42 {strides = array<i32>} : memref<1024xf32, #tpu.memory_space<vmem>>, vector<16xf32>,
    %swap3A_150 = arith.constant 864 : index
    %swap3A_151 = tpu.vector_load %arg7[%swap3A_150] {strides = array<i32>} : memref<1024xf32, #tpu.memory_space<vmem>>, vector<16xf32>,
    tpu.vector_store %arg7[%swap3A_150], %broadcast_in_dim3A_42 {strides = array<i32>} : memref<1024xf32, #tpu.memory_space<vmem>>, vector<16xf32>,
    %swap3A_152 = arith.constant 880 : index
    %swap3A_153 = tpu.vector_load %arg7[%swap3A_152] {strides = array<i32>} : memref<1024xf32, #tpu.memory_space<vmem>>, vector<16xf32>,
    tpu.vector_store %arg7[%swap3A_152], %broadcast_in_dim3A_42 {strides = array<i32>} : memref<1024xf32, #tpu.memory_space<vmem>>, vector<16xf32>,
    %swap3A_154 = arith.constant 896 : index
    %swap3A_155 = tpu.vector_load %arg7[%swap3A_154] {strides = array<i32>} : memref<1024xf32, #tpu.memory_space<vmem>>, vector<16xf32>,
    tpu.vector_store %arg7[%swap3A_154], %broadcast_in_dim3A_42 {strides = array<i32>} : memref<1024xf32, #tpu.memory_space<vmem>>, vector<16xf32>,
    %swap3A_156 = arith.constant 912 : index
    %swap3A_157 = tpu.vector_load %arg7[%swap3A_156] {strides = array<i32>} : memref<1024xf32, #tpu.memory_space<vmem>>, vector<16xf32>,
    tpu.vector_store %arg7[%swap3A_156], %broadcast_in_dim3A_42 {strides = array<i32>} : memref<1024xf32, #tpu.memory_space<vmem>>, vector<16xf32>,
    %swap3A_158 = arith.constant 928 : index
    %swap3A_159 = tpu.vector_load %arg7[%swap3A_158] {strides = array<i32>} : memref<1024xf32, #tpu.memory_space<vmem>>, vector<16xf32>,
    tpu.vector_store %arg7[%swap3A_158], %broadcast_in_dim3A_42 {strides = array<i32>} : memref<1024xf32, #tpu.memory_space<vmem>>, vector<16xf32>,
    %swap3A_160 = arith.constant 944 : index
    %swap3A_161 = tpu.vector_load %arg7[%swap3A_160] {strides = array<i32>} : memref<1024xf32, #tpu.memory_space<vmem>>, vector<16xf32>,
    tpu.vector_store %arg7[%swap3A_160], %broadcast_in_dim3A_42 {strides = array<i32>} : memref<1024xf32, #tpu.memory_space<vmem>>, vector<16xf32>,
    %swap3A_162 = arith.constant 960 : index
    %swap3A_163 = tpu.vector_load %arg7[%swap3A_162] {strides = array<i32>} : memref<1024xf32, #tpu.memory_space<vmem>>, vector<16xf32>,
    tpu.vector_store %arg7[%swap3A_162], %broadcast_in_dim3A_42 {strides = array<i32>} : memref<1024xf32, #tpu.memory_space<vmem>>, vector<16xf32>,
    %swap3A_164 = arith.constant 976 : index
    %swap3A_165 = tpu.vector_load %arg7[%swap3A_164] {strides = array<i32>} : memref<1024xf32, #tpu.memory_space<vmem>>, vector<16xf32>,
    tpu.vector_store %arg7[%swap3A_164], %broadcast_in_dim3A_42 {strides = array<i32>} : memref<1024xf32, #tpu.memory_space<vmem>>, vector<16xf32>,
    %swap3A_166 = arith.constant 992 : index
    %swap3A_167 = tpu.vector_load %arg7[%swap3A_166] {strides = array<i32>} : memref<1024xf32, #tpu.memory_space<vmem>>, vector<16xf32>,
    tpu.vector_store %arg7[%swap3A_166], %broadcast_in_dim3A_42 {strides = array<i32>} : memref<1024xf32, #tpu.memory_space<vmem>>, vector<16xf32>,
    %swap3A_168 = arith.constant 1008 : index
    %swap3A_169 = tpu.vector_load %arg7[%swap3A_168] {strides = array<i32>} : memref<1024xf32, #tpu.memory_space<vmem>>, vector<16xf32>,
    tpu.vector_store %arg7[%swap3A_168], %broadcast_in_dim3A_42 {strides = array<i32>} : memref<1024xf32, #tpu.memory_space<vmem>>, vector<16xf32>,
    %iota3A = tpu.iota {dimensions = array<i32: 0>} : vector<16xi32>
    %add3A_170 = arith.constant 0 : i32
    %add3A_171 = vector.broadcast %add3A_170 : i32 to vector<16xi32>
    %add3A_172 = arith.addi %iota3A, %add3A_171 : vector<16xi32>
    %add3A_173 = arith.constant 256 : i32
    %add3A_174 = vector.broadcast %add3A_173 : i32 to vector<16xi32>
    %add3A_175 = arith.addi %iota3A, %add3A_174 : vector<16xi32>
    %add3A_176 = arith.constant 512 : i32
    %add3A_177 = vector.broadcast %add3A_176 : i32 to vector<16xi32>
    %add3A_178 = arith.addi %iota3A, %add3A_177 : vector<16xi32>
    %add3A_179 = arith.constant 768 : i32
    %add3A_180 = vector.broadcast %add3A_179 : i32 to vector<16xi32>
    %add3A_181 = arith.addi %iota3A, %add3A_180 : vector<16xi32>
    %dma_wait3A = arith.constant 0 : i32
    %dma_wait3A_182 = arith.constant 0 : i32
    %dma_wait3A_183 = tpu.memref_slice %arg5[%dma_wait3A_182] : memref<32768xf32, #tpu.memory_space<vmem>> -> memref<16384xf32, #tpu.memory_space<vmem>>
    %dma_wait3A_184 = tpu.memref_slice %arg2[%add3A_4] : memref<1048576xf32, #tpu.memory_space<hbm>> -> memref<16384xf32, #tpu.memory_space<hbm>>
    %dma_wait3A_185 = tpu.memref_slice %arg9[%dma_wait3A] : memref<2x!tpu.dma_semaphore, #tpu.memory_space<semaphore_mem>> -> memref<1x!tpu.dma_semaphore, #tpu.memory_space<semaphore_mem>>
    %dma_wait3A_186 = tpu.memref_squeeze %dma_wait3A_185 : memref<1x!tpu.dma_semaphore, #tpu.memory_space<semaphore_mem>> -> memref<!tpu.dma_semaphore, #tpu.memory_space<semaphore_mem>>
    %dma_wait3A_187 = arith.constant 0 : i32
    %dma_wait3A_188 = tpu.memref_slice %arg5[%dma_wait3A_187] : memref<32768xf32, #tpu.memory_space<vmem>> -> memref<16384xf32, #tpu.memory_space<vmem>>
    %dma_wait3A_189 = tpu.memref_slice %arg2[%add3A_4] : memref<1048576xf32, #tpu.memory_space<hbm>> -> memref<16384xf32, #tpu.memory_space<hbm>>
    tpu.wait_dma2 semaphore(%dma_wait3A_186 : memref<!tpu.dma_semaphore, #tpu.memory_space<semaphore_mem>>) src(%dma_wait3A_189 : memref<16384xf32, #tpu.memory_space<hbm>>) dst(%dma_wait3A_188 : memref<16384xf32, #tpu.memory_space<vmem>>)
    %dma_wait3A_190 = arith.constant 0 : i32
    %dma_wait3A_191 = arith.constant 0 : i32
    %dma_wait3A_192 = tpu.memref_slice %arg6[%dma_wait3A_191] : memref<32768xi32, #tpu.memory_space<vmem>> -> memref<16384xi32, #tpu.memory_space<vmem>>
    %dma_wait3A_193 = tpu.memref_slice %arg3[%add3A_4] : memref<1048576xi32, #tpu.memory_space<hbm>> -> memref<16384xi32, #tpu.memory_space<hbm>>
    %dma_wait3A_194 = tpu.memref_slice %arg9[%dma_wait3A_190] : memref<2x!tpu.dma_semaphore, #tpu.memory_space<semaphore_mem>> -> memref<1x!tpu.dma_semaphore, #tpu.memory_space<semaphore_mem>>
    %dma_wait3A_195 = tpu.memref_squeeze %dma_wait3A_194 : memref<1x!tpu.dma_semaphore, #tpu.memory_space<semaphore_mem>> -> memref<!tpu.dma_semaphore, #tpu.memory_space<semaphore_mem>>
    %dma_wait3A_196 = arith.constant 0 : i32
    %dma_wait3A_197 = tpu.memref_slice %arg6[%dma_wait3A_196] : memref<32768xi32, #tpu.memory_space<vmem>> -> memref<16384xi32, #tpu.memory_space<vmem>>
    %dma_wait3A_198 = tpu.memref_slice %arg3[%add3A_4] : memref<1048576xi32, #tpu.memory_space<hbm>> -> memref<16384xi32, #tpu.memory_space<hbm>>
    tpu.wait_dma2 semaphore(%dma_wait3A_195 : memref<!tpu.dma_semaphore, #tpu.memory_space<semaphore_mem>>) src(%dma_wait3A_198 : memref<16384xi32, #tpu.memory_space<hbm>>) dst(%dma_wait3A_197 : memref<16384xi32, #tpu.memory_space<vmem>>)
    %dma_wait3A_199 = arith.constant 1 : i32
    %dma_wait3A_200 = arith.constant 16384 : i32
    %dma_wait3A_201 = tpu.memref_slice %arg5[%dma_wait3A_200] : memref<32768xf32, #tpu.memory_space<vmem>> -> memref<16384xf32, #tpu.memory_space<vmem>>
    %dma_wait3A_202 = tpu.memref_slice %arg2[%add3A_23] : memref<1048576xf32, #tpu.memory_space<hbm>> -> memref<16384xf32, #tpu.memory_space<hbm>>
    %dma_wait3A_203 = tpu.memref_slice %arg9[%dma_wait3A_199] : memref<2x!tpu.dma_semaphore, #tpu.memory_space<semaphore_mem>> -> memref<1x!tpu.dma_semaphore, #tpu.memory_space<semaphore_mem>>
    %dma_wait3A_204 = tpu.memref_squeeze %dma_wait3A_203 : memref<1x!tpu.dma_semaphore, #tpu.memory_space<semaphore_mem>> -> memref<!tpu.dma_semaphore, #tpu.memory_space<semaphore_mem>>
    %dma_wait3A_205 = arith.constant 16384 : i32
    %dma_wait3A_206 = tpu.memref_slice %arg5[%dma_wait3A_205] : memref<32768xf32, #tpu.memory_space<vmem>> -> memref<16384xf32, #tpu.memory_space<vmem>>
    %dma_wait3A_207 = tpu.memref_slice %arg2[%add3A_23] : memref<1048576xf32, #tpu.memory_space<hbm>> -> memref<16384xf32, #tpu.memory_space<hbm>>
    tpu.wait_dma2 semaphore(%dma_wait3A_204 : memref<!tpu.dma_semaphore, #tpu.memory_space<semaphore_mem>>) src(%dma_wait3A_207 : memref<16384xf32, #tpu.memory_space<hbm>>) dst(%dma_wait3A_206 : memref<16384xf32, #tpu.memory_space<vmem>>)
    %dma_wait3A_208 = arith.constant 1 : i32
    %dma_wait3A_209 = arith.constant 16384 : i32
    %dma_wait3A_210 = tpu.memref_slice %arg6[%dma_wait3A_209] : memref<32768xi32, #tpu.memory_space<vmem>> -> memref<16384xi32, #tpu.memory_space<vmem>>
    %dma_wait3A_211 = tpu.memref_slice %arg3[%add3A_23] : memref<1048576xi32, #tpu.memory_space<hbm>> -> memref<16384xi32, #tpu.memory_space<hbm>>
    %dma_wait3A_212 = tpu.memref_slice %arg9[%dma_wait3A_208] : memref<2x!tpu.dma_semaphore, #tpu.memory_space<semaphore_mem>> -> memref<1x!tpu.dma_semaphore, #tpu.memory_space<semaphore_mem>>
    %dma_wait3A_213 = tpu.memref_squeeze %dma_wait3A_212 : memref<1x!tpu.dma_semaphore, #tpu.memory_space<semaphore_mem>> -> memref<!tpu.dma_semaphore, #tpu.memory_space<semaphore_mem>>
    %dma_wait3A_214 = arith.constant 16384 : i32
    %dma_wait3A_215 = tpu.memref_slice %arg6[%dma_wait3A_214] : memref<32768xi32, #tpu.memory_space<vmem>> -> memref<16384xi32, #tpu.memory_space<vmem>>
    %dma_wait3A_216 = tpu.memref_slice %arg3[%add3A_23] : memref<1048576xi32, #tpu.memory_space<hbm>> -> memref<16384xi32, #tpu.memory_space<hbm>>
    tpu.wait_dma2 semaphore(%dma_wait3A_213 : memref<!tpu.dma_semaphore, #tpu.memory_space<semaphore_mem>>) src(%dma_wait3A_216 : memref<16384xi32, #tpu.memory_space<hbm>>) dst(%dma_wait3A_215 : memref<16384xi32, #tpu.memory_space<vmem>>)
    %parallel_loop3A = arith.constant 0 : i32
    %parallel_loop3A_217 = arith.constant 2048 : i32
    %parallel_loop3A_218 = arith.constant 4 : i32
    scf.for %parallel_loop3A_426 = %parallel_loop3A to %parallel_loop3A_217 step %parallel_loop3A_218  : i32 {
      %parallel_loop3A_427 = arith.constant 0 : i32
      %parallel_loop3A_428 = arith.addi %parallel_loop3A_426, %parallel_loop3A_427 : i32
      %parallel_loop3A_429 = arith.constant 16 : i32
      %parallel_loop3A_430 = arith.muli %parallel_loop3A_428, %parallel_loop3A_429 : i32
      %parallel_loop3A_431 = arith.index_cast %parallel_loop3A_430 : i32 to index
      %parallel_loop3A_432 = tpu.vector_load %arg5[%parallel_loop3A_431] {strides = array<i32>} : memref<32768xf32, #tpu.memory_space<vmem>>, vector<16xf32>,
      %parallel_loop3A_433 = arith.index_cast %parallel_loop3A_430 : i32 to index
      %parallel_loop3A_434 = tpu.vector_load %arg6[%parallel_loop3A_433] {strides = array<i32>} : memref<32768xi32, #tpu.memory_space<vmem>>, vector<16xi32>,
      %parallel_loop3A_435 = arith.constant 0.000000e+00 : f32
      %parallel_loop3A_436 = vector.broadcast %parallel_loop3A_435 : f32 to vector<16xf32>
      %parallel_loop3A_437 = arith.subf %parallel_loop3A_436, %parallel_loop3A_432 : vector<16xf32>
      %parallel_loop3A_438 = math.exp %parallel_loop3A_437 : vector<16xf32>
      %parallel_loop3A_439 = arith.constant 1.000000e+00 : f32
      %parallel_loop3A_440 = vector.broadcast %parallel_loop3A_439 : f32 to vector<16xf32>
      %parallel_loop3A_441 = arith.addf %parallel_loop3A_440, %parallel_loop3A_438 : vector<16xf32>
      %parallel_loop3A_442 = arith.constant 1.000000e+00 : f32
      %parallel_loop3A_443 = vector.broadcast %parallel_loop3A_442 : f32 to vector<16xf32>
      %parallel_loop3A_444 = arith.divf %parallel_loop3A_443, %parallel_loop3A_441 : vector<16xf32>
      %parallel_loop3A_445 = arith.constant 1.500000e+01 : f32
      %parallel_loop3A_446 = vector.broadcast %parallel_loop3A_445 : f32 to vector<16xf32>
      %parallel_loop3A_447 = arith.mulf %parallel_loop3A_444, %parallel_loop3A_446 : vector<16xf32>
      %parallel_loop3A_448 = arith.constant 1.400000e+01 : f32
      %parallel_loop3A_449 = vector.broadcast %parallel_loop3A_448 : f32 to vector<16xf32>
      %parallel_loop3A_450 = arith.minimumf %parallel_loop3A_447, %parallel_loop3A_449 : vector<16xf32>
      %parallel_loop3A_451 = arith.fptosi %parallel_loop3A_450 : vector<16xf32> to vector<16xi32>
      %parallel_loop3A_452 = arith.constant 15 : i32
      %parallel_loop3A_453 = vector.broadcast %parallel_loop3A_452 : i32 to vector<16xi32>
      %parallel_loop3A_454 = arith.andi %parallel_loop3A_451, %parallel_loop3A_453 : vector<16xi32>
      %parallel_loop3A_455 = arith.sitofp %parallel_loop3A_434 : vector<16xi32> to vector<16xf32>
      %parallel_loop3A_456 = arith.subf %parallel_loop3A_444, %parallel_loop3A_455 : vector<16xf32>
      %parallel_loop3A_457 = arith.constant 16 : i32
      %parallel_loop3A_458 = vector.broadcast %parallel_loop3A_457 : i32 to vector<16xi32>
      %parallel_loop3A_459 = arith.muli %parallel_loop3A_454, %parallel_loop3A_458 : vector<16xi32>
      %parallel_loop3A_460 = arith.addi %parallel_loop3A_459, %add3A_172 : vector<16xi32>
      tpu.vector_store_idx %arg7[%parallel_loop3A_460], %parallel_loop3A_456 {add = true} : memref<1024xf32, #tpu.memory_space<vmem>>[vector<16xi32>], vector<16xf32>,
      %parallel_loop3A_461 = arith.constant 1 : i32
      %parallel_loop3A_462 = arith.addi %parallel_loop3A_426, %parallel_loop3A_461 : i32
      %parallel_loop3A_463 = arith.constant 16 : i32
      %parallel_loop3A_464 = arith.muli %parallel_loop3A_462, %parallel_loop3A_463 : i32
      %parallel_loop3A_465 = arith.index_cast %parallel_loop3A_464 : i32 to index
      %parallel_loop3A_466 = tpu.vector_load %arg5[%parallel_loop3A_465] {strides = array<i32>} : memref<32768xf32, #tpu.memory_space<vmem>>, vector<16xf32>,
      %parallel_loop3A_467 = arith.index_cast %parallel_loop3A_464 : i32 to index
      %parallel_loop3A_468 = tpu.vector_load %arg6[%parallel_loop3A_467] {strides = array<i32>} : memref<32768xi32, #tpu.memory_space<vmem>>, vector<16xi32>,
      %parallel_loop3A_469 = arith.constant 0.000000e+00 : f32
      %parallel_loop3A_470 = vector.broadcast %parallel_loop3A_469 : f32 to vector<16xf32>
      %parallel_loop3A_471 = arith.subf %parallel_loop3A_470, %parallel_loop3A_466 : vector<16xf32>
      %parallel_loop3A_472 = math.exp %parallel_loop3A_471 : vector<16xf32>
      %parallel_loop3A_473 = arith.constant 1.000000e+00 : f32
      %parallel_loop3A_474 = vector.broadcast %parallel_loop3A_473 : f32 to vector<16xf32>
      %parallel_loop3A_475 = arith.addf %parallel_loop3A_474, %parallel_loop3A_472 : vector<16xf32>
      %parallel_loop3A_476 = arith.constant 1.000000e+00 : f32
      %parallel_loop3A_477 = vector.broadcast %parallel_loop3A_476 : f32 to vector<16xf32>
      %parallel_loop3A_478 = arith.divf %parallel_loop3A_477, %parallel_loop3A_475 : vector<16xf32>
      %parallel_loop3A_479 = arith.constant 1.500000e+01 : f32
      %parallel_loop3A_480 = vector.broadcast %parallel_loop3A_479 : f32 to vector<16xf32>
      %parallel_loop3A_481 = arith.mulf %parallel_loop3A_478, %parallel_loop3A_480 : vector<16xf32>
      %parallel_loop3A_482 = arith.constant 1.400000e+01 : f32
      %parallel_loop3A_483 = vector.broadcast %parallel_loop3A_482 : f32 to vector<16xf32>
      %parallel_loop3A_484 = arith.minimumf %parallel_loop3A_481, %parallel_loop3A_483 : vector<16xf32>
      %parallel_loop3A_485 = arith.fptosi %parallel_loop3A_484 : vector<16xf32> to vector<16xi32>
      %parallel_loop3A_486 = arith.constant 15 : i32
      %parallel_loop3A_487 = vector.broadcast %parallel_loop3A_486 : i32 to vector<16xi32>
      %parallel_loop3A_488 = arith.andi %parallel_loop3A_485, %parallel_loop3A_487 : vector<16xi32>
      %parallel_loop3A_489 = arith.sitofp %parallel_loop3A_468 : vector<16xi32> to vector<16xf32>
      %parallel_loop3A_490 = arith.subf %parallel_loop3A_478, %parallel_loop3A_489 : vector<16xf32>
      %parallel_loop3A_491 = arith.constant 16 : i32
      %parallel_loop3A_492 = vector.broadcast %parallel_loop3A_491 : i32 to vector<16xi32>
      %parallel_loop3A_493 = arith.muli %parallel_loop3A_488, %parallel_loop3A_492 : vector<16xi32>
      %parallel_loop3A_494 = arith.addi %parallel_loop3A_493, %add3A_175 : vector<16xi32>
      tpu.vector_store_idx %arg7[%parallel_loop3A_494], %parallel_loop3A_490 {add = true} : memref<1024xf32, #tpu.memory_space<vmem>>[vector<16xi32>], vector<16xf32>,
      %parallel_loop3A_495 = arith.constant 2 : i32
      %parallel_loop3A_496 = arith.addi %parallel_loop3A_426, %parallel_loop3A_495 : i32
      %parallel_loop3A_497 = arith.constant 16 : i32
      %parallel_loop3A_498 = arith.muli %parallel_loop3A_496, %parallel_loop3A_497 : i32
      %parallel_loop3A_499 = arith.index_cast %parallel_loop3A_498 : i32 to index
      %parallel_loop3A_500 = tpu.vector_load %arg5[%parallel_loop3A_499] {strides = array<i32>} : memref<32768xf32, #tpu.memory_space<vmem>>, vector<16xf32>,
      %parallel_loop3A_501 = arith.index_cast %parallel_loop3A_498 : i32 to index
      %parallel_loop3A_502 = tpu.vector_load %arg6[%parallel_loop3A_501] {strides = array<i32>} : memref<32768xi32, #tpu.memory_space<vmem>>, vector<16xi32>,
      %parallel_loop3A_503 = arith.constant 0.000000e+00 : f32
      %parallel_loop3A_504 = vector.broadcast %parallel_loop3A_503 : f32 to vector<16xf32>
      %parallel_loop3A_505 = arith.subf %parallel_loop3A_504, %parallel_loop3A_500 : vector<16xf32>
      %parallel_loop3A_506 = math.exp %parallel_loop3A_505 : vector<16xf32>
      %parallel_loop3A_507 = arith.constant 1.000000e+00 : f32
      %parallel_loop3A_508 = vector.broadcast %parallel_loop3A_507 : f32 to vector<16xf32>
      %parallel_loop3A_509 = arith.addf %parallel_loop3A_508, %parallel_loop3A_506 : vector<16xf32>
      %parallel_loop3A_510 = arith.constant 1.000000e+00 : f32
      %parallel_loop3A_511 = vector.broadcast %parallel_loop3A_510 : f32 to vector<16xf32>
      %parallel_loop3A_512 = arith.divf %parallel_loop3A_511, %parallel_loop3A_509 : vector<16xf32>
      %parallel_loop3A_513 = arith.constant 1.500000e+01 : f32
      %parallel_loop3A_514 = vector.broadcast %parallel_loop3A_513 : f32 to vector<16xf32>
      %parallel_loop3A_515 = arith.mulf %parallel_loop3A_512, %parallel_loop3A_514 : vector<16xf32>
      %parallel_loop3A_516 = arith.constant 1.400000e+01 : f32
      %parallel_loop3A_517 = vector.broadcast %parallel_loop3A_516 : f32 to vector<16xf32>
      %parallel_loop3A_518 = arith.minimumf %parallel_loop3A_515, %parallel_loop3A_517 : vector<16xf32>
      %parallel_loop3A_519 = arith.fptosi %parallel_loop3A_518 : vector<16xf32> to vector<16xi32>
      %parallel_loop3A_520 = arith.constant 15 : i32
      %parallel_loop3A_521 = vector.broadcast %parallel_loop3A_520 : i32 to vector<16xi32>
      %parallel_loop3A_522 = arith.andi %parallel_loop3A_519, %parallel_loop3A_521 : vector<16xi32>
      %parallel_loop3A_523 = arith.sitofp %parallel_loop3A_502 : vector<16xi32> to vector<16xf32>
      %parallel_loop3A_524 = arith.subf %parallel_loop3A_512, %parallel_loop3A_523 : vector<16xf32>
      %parallel_loop3A_525 = arith.constant 16 : i32
      %parallel_loop3A_526 = vector.broadcast %parallel_loop3A_525 : i32 to vector<16xi32>
      %parallel_loop3A_527 = arith.muli %parallel_loop3A_522, %parallel_loop3A_526 : vector<16xi32>
      %parallel_loop3A_528 = arith.addi %parallel_loop3A_527, %add3A_178 : vector<16xi32>
      tpu.vector_store_idx %arg7[%parallel_loop3A_528], %parallel_loop3A_524 {add = true} : memref<1024xf32, #tpu.memory_space<vmem>>[vector<16xi32>], vector<16xf32>,
      %parallel_loop3A_529 = arith.constant 3 : i32
      %parallel_loop3A_530 = arith.addi %parallel_loop3A_426, %parallel_loop3A_529 : i32
      %parallel_loop3A_531 = arith.constant 16 : i32
      %parallel_loop3A_532 = arith.muli %parallel_loop3A_530, %parallel_loop3A_531 : i32
      %parallel_loop3A_533 = arith.index_cast %parallel_loop3A_532 : i32 to index
      %parallel_loop3A_534 = tpu.vector_load %arg5[%parallel_loop3A_533] {strides = array<i32>} : memref<32768xf32, #tpu.memory_space<vmem>>, vector<16xf32>,
      %parallel_loop3A_535 = arith.index_cast %parallel_loop3A_532 : i32 to index
      %parallel_loop3A_536 = tpu.vector_load %arg6[%parallel_loop3A_535] {strides = array<i32>} : memref<32768xi32, #tpu.memory_space<vmem>>, vector<16xi32>,
      %parallel_loop3A_537 = arith.constant 0.000000e+00 : f32
      %parallel_loop3A_538 = vector.broadcast %parallel_loop3A_537 : f32 to vector<16xf32>
      %parallel_loop3A_539 = arith.subf %parallel_loop3A_538, %parallel_loop3A_534 : vector<16xf32>
      %parallel_loop3A_540 = math.exp %parallel_loop3A_539 : vector<16xf32>
      %parallel_loop3A_541 = arith.constant 1.000000e+00 : f32
      %parallel_loop3A_542 = vector.broadcast %parallel_loop3A_541 : f32 to vector<16xf32>
      %parallel_loop3A_543 = arith.addf %parallel_loop3A_542, %parallel_loop3A_540 : vector<16xf32>
      %parallel_loop3A_544 = arith.constant 1.000000e+00 : f32
      %parallel_loop3A_545 = vector.broadcast %parallel_loop3A_544 : f32 to vector<16xf32>
      %parallel_loop3A_546 = arith.divf %parallel_loop3A_545, %parallel_loop3A_543 : vector<16xf32>
      %parallel_loop3A_547 = arith.constant 1.500000e+01 : f32
      %parallel_loop3A_548 = vector.broadcast %parallel_loop3A_547 : f32 to vector<16xf32>
      %parallel_loop3A_549 = arith.mulf %parallel_loop3A_546, %parallel_loop3A_548 : vector<16xf32>
      %parallel_loop3A_550 = arith.constant 1.400000e+01 : f32
      %parallel_loop3A_551 = vector.broadcast %parallel_loop3A_550 : f32 to vector<16xf32>
      %parallel_loop3A_552 = arith.minimumf %parallel_loop3A_549, %parallel_loop3A_551 : vector<16xf32>
      %parallel_loop3A_553 = arith.fptosi %parallel_loop3A_552 : vector<16xf32> to vector<16xi32>
      %parallel_loop3A_554 = arith.constant 15 : i32
      %parallel_loop3A_555 = vector.broadcast %parallel_loop3A_554 : i32 to vector<16xi32>
      %parallel_loop3A_556 = arith.andi %parallel_loop3A_553, %parallel_loop3A_555 : vector<16xi32>
      %parallel_loop3A_557 = arith.sitofp %parallel_loop3A_536 : vector<16xi32> to vector<16xf32>
      %parallel_loop3A_558 = arith.subf %parallel_loop3A_546, %parallel_loop3A_557 : vector<16xf32>
      %parallel_loop3A_559 = arith.constant 16 : i32
      %parallel_loop3A_560 = vector.broadcast %parallel_loop3A_559 : i32 to vector<16xi32>
      %parallel_loop3A_561 = arith.muli %parallel_loop3A_556, %parallel_loop3A_560 : vector<16xi32>
      %parallel_loop3A_562 = arith.addi %parallel_loop3A_561, %add3A_181 : vector<16xi32>
      tpu.vector_store_idx %arg7[%parallel_loop3A_562], %parallel_loop3A_558 {add = true} : memref<1024xf32, #tpu.memory_space<vmem>>[vector<16xi32>], vector<16xf32>,
    } {sc.loop_unroll_factor = 1 : i64, sc.parallel_access}
    %get3A = arith.constant 0 : index
    %get3A_219 = tpu.vector_load %arg7[%get3A] {strides = array<i32>} : memref<1024xf32, #tpu.memory_space<vmem>>, vector<16xf32>,
    %get3A_220 = arith.constant 256 : index
    %get3A_221 = tpu.vector_load %arg7[%get3A_220] {strides = array<i32>} : memref<1024xf32, #tpu.memory_space<vmem>>, vector<16xf32>,
    %add3A_222 = arith.addf %get3A_219, %get3A_221 : vector<16xf32>
    %get3A_223 = arith.constant 512 : index
    %get3A_224 = tpu.vector_load %arg7[%get3A_223] {strides = array<i32>} : memref<1024xf32, #tpu.memory_space<vmem>>, vector<16xf32>,
    %add3A_225 = arith.addf %add3A_222, %get3A_224 : vector<16xf32>
    %get3A_226 = arith.constant 768 : index
    %get3A_227 = tpu.vector_load %arg7[%get3A_226] {strides = array<i32>} : memref<1024xf32, #tpu.memory_space<vmem>>, vector<16xf32>,
    %add3A_228 = arith.addf %add3A_225, %get3A_227 : vector<16xf32>
    %swap3A_229 = arith.constant 0 : index
    %swap3A_230 = tpu.vector_load %arg8[%swap3A_229] {strides = array<i32>} : memref<256xf32, #tpu.memory_space<vmem>>, vector<16xf32>,
    tpu.vector_store %arg8[%swap3A_229], %add3A_228 {strides = array<i32>} : memref<256xf32, #tpu.memory_space<vmem>>, vector<16xf32>,
    %get3A_231 = arith.constant 16 : index
    %get3A_232 = tpu.vector_load %arg7[%get3A_231] {strides = array<i32>} : memref<1024xf32, #tpu.memory_space<vmem>>, vector<16xf32>,
    %get3A_233 = arith.constant 272 : index
    %get3A_234 = tpu.vector_load %arg7[%get3A_233] {strides = array<i32>} : memref<1024xf32, #tpu.memory_space<vmem>>, vector<16xf32>,
    %add3A_235 = arith.addf %get3A_232, %get3A_234 : vector<16xf32>
    %get3A_236 = arith.constant 528 : index
    %get3A_237 = tpu.vector_load %arg7[%get3A_236] {strides = array<i32>} : memref<1024xf32, #tpu.memory_space<vmem>>, vector<16xf32>,
    %add3A_238 = arith.addf %add3A_235, %get3A_237 : vector<16xf32>
    %get3A_239 = arith.constant 784 : index
    %get3A_240 = tpu.vector_load %arg7[%get3A_239] {strides = array<i32>} : memref<1024xf32, #tpu.memory_space<vmem>>, vector<16xf32>,
    %add3A_241 = arith.addf %add3A_238, %get3A_240 : vector<16xf32>
    %swap3A_242 = arith.constant 16 : index
    %swap3A_243 = tpu.vector_load %arg8[%swap3A_242] {strides = array<i32>} : memref<256xf32, #tpu.memory_space<vmem>>, vector<16xf32>,
    tpu.vector_store %arg8[%swap3A_242], %add3A_241 {strides = array<i32>} : memref<256xf32, #tpu.memory_space<vmem>>, vector<16xf32>,
    %get3A_244 = arith.constant 32 : index
    %get3A_245 = tpu.vector_load %arg7[%get3A_244] {strides = array<i32>} : memref<1024xf32, #tpu.memory_space<vmem>>, vector<16xf32>,
    %get3A_246 = arith.constant 288 : index
    %get3A_247 = tpu.vector_load %arg7[%get3A_246] {strides = array<i32>} : memref<1024xf32, #tpu.memory_space<vmem>>, vector<16xf32>,
    %add3A_248 = arith.addf %get3A_245, %get3A_247 : vector<16xf32>
    %get3A_249 = arith.constant 544 : index
    %get3A_250 = tpu.vector_load %arg7[%get3A_249] {strides = array<i32>} : memref<1024xf32, #tpu.memory_space<vmem>>, vector<16xf32>,
    %add3A_251 = arith.addf %add3A_248, %get3A_250 : vector<16xf32>
    %get3A_252 = arith.constant 800 : index
    %get3A_253 = tpu.vector_load %arg7[%get3A_252] {strides = array<i32>} : memref<1024xf32, #tpu.memory_space<vmem>>, vector<16xf32>,
    %add3A_254 = arith.addf %add3A_251, %get3A_253 : vector<16xf32>
    %swap3A_255 = arith.constant 32 : index
    %swap3A_256 = tpu.vector_load %arg8[%swap3A_255] {strides = array<i32>} : memref<256xf32, #tpu.memory_space<vmem>>, vector<16xf32>,
    tpu.vector_store %arg8[%swap3A_255], %add3A_254 {strides = array<i32>} : memref<256xf32, #tpu.memory_space<vmem>>, vector<16xf32>,
    %get3A_257 = arith.constant 48 : index
    %get3A_258 = tpu.vector_load %arg7[%get3A_257] {strides = array<i32>} : memref<1024xf32, #tpu.memory_space<vmem>>, vector<16xf32>,
    %get3A_259 = arith.constant 304 : index
    %get3A_260 = tpu.vector_load %arg7[%get3A_259] {strides = array<i32>} : memref<1024xf32, #tpu.memory_space<vmem>>, vector<16xf32>,
    %add3A_261 = arith.addf %get3A_258, %get3A_260 : vector<16xf32>
    %get3A_262 = arith.constant 560 : index
    %get3A_263 = tpu.vector_load %arg7[%get3A_262] {strides = array<i32>} : memref<1024xf32, #tpu.memory_space<vmem>>, vector<16xf32>,
    %add3A_264 = arith.addf %add3A_261, %get3A_263 : vector<16xf32>
    %get3A_265 = arith.constant 816 : index
    %get3A_266 = tpu.vector_load %arg7[%get3A_265] {strides = array<i32>} : memref<1024xf32, #tpu.memory_space<vmem>>, vector<16xf32>,
    %add3A_267 = arith.addf %add3A_264, %get3A_266 : vector<16xf32>
    %swap3A_268 = arith.constant 48 : index
    %swap3A_269 = tpu.vector_load %arg8[%swap3A_268] {strides = array<i32>} : memref<256xf32, #tpu.memory_space<vmem>>, vector<16xf32>,
    tpu.vector_store %arg8[%swap3A_268], %add3A_267 {strides = array<i32>} : memref<256xf32, #tpu.memory_space<vmem>>, vector<16xf32>,
    %get3A_270 = arith.constant 64 : index
    %get3A_271 = tpu.vector_load %arg7[%get3A_270] {strides = array<i32>} : memref<1024xf32, #tpu.memory_space<vmem>>, vector<16xf32>,
    %get3A_272 = arith.constant 320 : index
    %get3A_273 = tpu.vector_load %arg7[%get3A_272] {strides = array<i32>} : memref<1024xf32, #tpu.memory_space<vmem>>, vector<16xf32>,
    %add3A_274 = arith.addf %get3A_271, %get3A_273 : vector<16xf32>
    %get3A_275 = arith.constant 576 : index
    %get3A_276 = tpu.vector_load %arg7[%get3A_275] {strides = array<i32>} : memref<1024xf32, #tpu.memory_space<vmem>>, vector<16xf32>,
    %add3A_277 = arith.addf %add3A_274, %get3A_276 : vector<16xf32>
    %get3A_278 = arith.constant 832 : index
    %get3A_279 = tpu.vector_load %arg7[%get3A_278] {strides = array<i32>} : memref<1024xf32, #tpu.memory_space<vmem>>, vector<16xf32>,
    %add3A_280 = arith.addf %add3A_277, %get3A_279 : vector<16xf32>
    %swap3A_281 = arith.constant 64 : index
    %swap3A_282 = tpu.vector_load %arg8[%swap3A_281] {strides = array<i32>} : memref<256xf32, #tpu.memory_space<vmem>>, vector<16xf32>,
    tpu.vector_store %arg8[%swap3A_281], %add3A_280 {strides = array<i32>} : memref<256xf32, #tpu.memory_space<vmem>>, vector<16xf32>,
    %get3A_283 = arith.constant 80 : index
    %get3A_284 = tpu.vector_load %arg7[%get3A_283] {strides = array<i32>} : memref<1024xf32, #tpu.memory_space<vmem>>, vector<16xf32>,
    %get3A_285 = arith.constant 336 : index
    %get3A_286 = tpu.vector_load %arg7[%get3A_285] {strides = array<i32>} : memref<1024xf32, #tpu.memory_space<vmem>>, vector<16xf32>,
    %add3A_287 = arith.addf %get3A_284, %get3A_286 : vector<16xf32>
    %get3A_288 = arith.constant 592 : index
    %get3A_289 = tpu.vector_load %arg7[%get3A_288] {strides = array<i32>} : memref<1024xf32, #tpu.memory_space<vmem>>, vector<16xf32>,
    %add3A_290 = arith.addf %add3A_287, %get3A_289 : vector<16xf32>
    %get3A_291 = arith.constant 848 : index
    %get3A_292 = tpu.vector_load %arg7[%get3A_291] {strides = array<i32>} : memref<1024xf32, #tpu.memory_space<vmem>>, vector<16xf32>,
    %add3A_293 = arith.addf %add3A_290, %get3A_292 : vector<16xf32>
    %swap3A_294 = arith.constant 80 : index
    %swap3A_295 = tpu.vector_load %arg8[%swap3A_294] {strides = array<i32>} : memref<256xf32, #tpu.memory_space<vmem>>, vector<16xf32>,
    tpu.vector_store %arg8[%swap3A_294], %add3A_293 {strides = array<i32>} : memref<256xf32, #tpu.memory_space<vmem>>, vector<16xf32>,
    %get3A_296 = arith.constant 96 : index
    %get3A_297 = tpu.vector_load %arg7[%get3A_296] {strides = array<i32>} : memref<1024xf32, #tpu.memory_space<vmem>>, vector<16xf32>,
    %get3A_298 = arith.constant 352 : index
    %get3A_299 = tpu.vector_load %arg7[%get3A_298] {strides = array<i32>} : memref<1024xf32, #tpu.memory_space<vmem>>, vector<16xf32>,
    %add3A_300 = arith.addf %get3A_297, %get3A_299 : vector<16xf32>
    %get3A_301 = arith.constant 608 : index
    %get3A_302 = tpu.vector_load %arg7[%get3A_301] {strides = array<i32>} : memref<1024xf32, #tpu.memory_space<vmem>>, vector<16xf32>,
    %add3A_303 = arith.addf %add3A_300, %get3A_302 : vector<16xf32>
    %get3A_304 = arith.constant 864 : index
    %get3A_305 = tpu.vector_load %arg7[%get3A_304] {strides = array<i32>} : memref<1024xf32, #tpu.memory_space<vmem>>, vector<16xf32>,
    %add3A_306 = arith.addf %add3A_303, %get3A_305 : vector<16xf32>
    %swap3A_307 = arith.constant 96 : index
    %swap3A_308 = tpu.vector_load %arg8[%swap3A_307] {strides = array<i32>} : memref<256xf32, #tpu.memory_space<vmem>>, vector<16xf32>,
    tpu.vector_store %arg8[%swap3A_307], %add3A_306 {strides = array<i32>} : memref<256xf32, #tpu.memory_space<vmem>>, vector<16xf32>,
    %get3A_309 = arith.constant 112 : index
    %get3A_310 = tpu.vector_load %arg7[%get3A_309] {strides = array<i32>} : memref<1024xf32, #tpu.memory_space<vmem>>, vector<16xf32>,
    %get3A_311 = arith.constant 368 : index
    %get3A_312 = tpu.vector_load %arg7[%get3A_311] {strides = array<i32>} : memref<1024xf32, #tpu.memory_space<vmem>>, vector<16xf32>,
    %add3A_313 = arith.addf %get3A_310, %get3A_312 : vector<16xf32>
    %get3A_314 = arith.constant 624 : index
    %get3A_315 = tpu.vector_load %arg7[%get3A_314] {strides = array<i32>} : memref<1024xf32, #tpu.memory_space<vmem>>, vector<16xf32>,
    %add3A_316 = arith.addf %add3A_313, %get3A_315 : vector<16xf32>
    %get3A_317 = arith.constant 880 : index
    %get3A_318 = tpu.vector_load %arg7[%get3A_317] {strides = array<i32>} : memref<1024xf32, #tpu.memory_space<vmem>>, vector<16xf32>,
    %add3A_319 = arith.addf %add3A_316, %get3A_318 : vector<16xf32>
    %swap3A_320 = arith.constant 112 : index
    %swap3A_321 = tpu.vector_load %arg8[%swap3A_320] {strides = array<i32>} : memref<256xf32, #tpu.memory_space<vmem>>, vector<16xf32>,
    tpu.vector_store %arg8[%swap3A_320], %add3A_319 {strides = array<i32>} : memref<256xf32, #tpu.memory_space<vmem>>, vector<16xf32>,
    %get3A_322 = arith.constant 128 : index
    %get3A_323 = tpu.vector_load %arg7[%get3A_322] {strides = array<i32>} : memref<1024xf32, #tpu.memory_space<vmem>>, vector<16xf32>,
    %get3A_324 = arith.constant 384 : index
    %get3A_325 = tpu.vector_load %arg7[%get3A_324] {strides = array<i32>} : memref<1024xf32, #tpu.memory_space<vmem>>, vector<16xf32>,
    %add3A_326 = arith.addf %get3A_323, %get3A_325 : vector<16xf32>
    %get3A_327 = arith.constant 640 : index
    %get3A_328 = tpu.vector_load %arg7[%get3A_327] {strides = array<i32>} : memref<1024xf32, #tpu.memory_space<vmem>>, vector<16xf32>,
    %add3A_329 = arith.addf %add3A_326, %get3A_328 : vector<16xf32>
    %get3A_330 = arith.constant 896 : index
    %get3A_331 = tpu.vector_load %arg7[%get3A_330] {strides = array<i32>} : memref<1024xf32, #tpu.memory_space<vmem>>, vector<16xf32>,
    %add3A_332 = arith.addf %add3A_329, %get3A_331 : vector<16xf32>
    %swap3A_333 = arith.constant 128 : index
    %swap3A_334 = tpu.vector_load %arg8[%swap3A_333] {strides = array<i32>} : memref<256xf32, #tpu.memory_space<vmem>>, vector<16xf32>,
    tpu.vector_store %arg8[%swap3A_333], %add3A_332 {strides = array<i32>} : memref<256xf32, #tpu.memory_space<vmem>>, vector<16xf32>,
    %get3A_335 = arith.constant 144 : index
    %get3A_336 = tpu.vector_load %arg7[%get3A_335] {strides = array<i32>} : memref<1024xf32, #tpu.memory_space<vmem>>, vector<16xf32>,
    %get3A_337 = arith.constant 400 : index
    %get3A_338 = tpu.vector_load %arg7[%get3A_337] {strides = array<i32>} : memref<1024xf32, #tpu.memory_space<vmem>>, vector<16xf32>,
    %add3A_339 = arith.addf %get3A_336, %get3A_338 : vector<16xf32>
    %get3A_340 = arith.constant 656 : index
    %get3A_341 = tpu.vector_load %arg7[%get3A_340] {strides = array<i32>} : memref<1024xf32, #tpu.memory_space<vmem>>, vector<16xf32>,
    %add3A_342 = arith.addf %add3A_339, %get3A_341 : vector<16xf32>
    %get3A_343 = arith.constant 912 : index
    %get3A_344 = tpu.vector_load %arg7[%get3A_343] {strides = array<i32>} : memref<1024xf32, #tpu.memory_space<vmem>>, vector<16xf32>,
    %add3A_345 = arith.addf %add3A_342, %get3A_344 : vector<16xf32>
    %swap3A_346 = arith.constant 144 : index
    %swap3A_347 = tpu.vector_load %arg8[%swap3A_346] {strides = array<i32>} : memref<256xf32, #tpu.memory_space<vmem>>, vector<16xf32>,
    tpu.vector_store %arg8[%swap3A_346], %add3A_345 {strides = array<i32>} : memref<256xf32, #tpu.memory_space<vmem>>, vector<16xf32>,
    %get3A_348 = arith.constant 160 : index
    %get3A_349 = tpu.vector_load %arg7[%get3A_348] {strides = array<i32>} : memref<1024xf32, #tpu.memory_space<vmem>>, vector<16xf32>,
    %get3A_350 = arith.constant 416 : index
    %get3A_351 = tpu.vector_load %arg7[%get3A_350] {strides = array<i32>} : memref<1024xf32, #tpu.memory_space<vmem>>, vector<16xf32>,
    %add3A_352 = arith.addf %get3A_349, %get3A_351 : vector<16xf32>
    %get3A_353 = arith.constant 672 : index
    %get3A_354 = tpu.vector_load %arg7[%get3A_353] {strides = array<i32>} : memref<1024xf32, #tpu.memory_space<vmem>>, vector<16xf32>,
    %add3A_355 = arith.addf %add3A_352, %get3A_354 : vector<16xf32>
    %get3A_356 = arith.constant 928 : index
    %get3A_357 = tpu.vector_load %arg7[%get3A_356] {strides = array<i32>} : memref<1024xf32, #tpu.memory_space<vmem>>, vector<16xf32>,
    %add3A_358 = arith.addf %add3A_355, %get3A_357 : vector<16xf32>
    %swap3A_359 = arith.constant 160 : index
    %swap3A_360 = tpu.vector_load %arg8[%swap3A_359] {strides = array<i32>} : memref<256xf32, #tpu.memory_space<vmem>>, vector<16xf32>,
    tpu.vector_store %arg8[%swap3A_359], %add3A_358 {strides = array<i32>} : memref<256xf32, #tpu.memory_space<vmem>>, vector<16xf32>,
    %get3A_361 = arith.constant 176 : index
    %get3A_362 = tpu.vector_load %arg7[%get3A_361] {strides = array<i32>} : memref<1024xf32, #tpu.memory_space<vmem>>, vector<16xf32>,
    %get3A_363 = arith.constant 432 : index
    %get3A_364 = tpu.vector_load %arg7[%get3A_363] {strides = array<i32>} : memref<1024xf32, #tpu.memory_space<vmem>>, vector<16xf32>,
    %add3A_365 = arith.addf %get3A_362, %get3A_364 : vector<16xf32>
    %get3A_366 = arith.constant 688 : index
    %get3A_367 = tpu.vector_load %arg7[%get3A_366] {strides = array<i32>} : memref<1024xf32, #tpu.memory_space<vmem>>, vector<16xf32>,
    %add3A_368 = arith.addf %add3A_365, %get3A_367 : vector<16xf32>
    %get3A_369 = arith.constant 944 : index
    %get3A_370 = tpu.vector_load %arg7[%get3A_369] {strides = array<i32>} : memref<1024xf32, #tpu.memory_space<vmem>>, vector<16xf32>,
    %add3A_371 = arith.addf %add3A_368, %get3A_370 : vector<16xf32>
    %swap3A_372 = arith.constant 176 : index
    %swap3A_373 = tpu.vector_load %arg8[%swap3A_372] {strides = array<i32>} : memref<256xf32, #tpu.memory_space<vmem>>, vector<16xf32>,
    tpu.vector_store %arg8[%swap3A_372], %add3A_371 {strides = array<i32>} : memref<256xf32, #tpu.memory_space<vmem>>, vector<16xf32>,
    %get3A_374 = arith.constant 192 : index
    %get3A_375 = tpu.vector_load %arg7[%get3A_374] {strides = array<i32>} : memref<1024xf32, #tpu.memory_space<vmem>>, vector<16xf32>,
    %get3A_376 = arith.constant 448 : index
    %get3A_377 = tpu.vector_load %arg7[%get3A_376] {strides = array<i32>} : memref<1024xf32, #tpu.memory_space<vmem>>, vector<16xf32>,
    %add3A_378 = arith.addf %get3A_375, %get3A_377 : vector<16xf32>
    %get3A_379 = arith.constant 704 : index
    %get3A_380 = tpu.vector_load %arg7[%get3A_379] {strides = array<i32>} : memref<1024xf32, #tpu.memory_space<vmem>>, vector<16xf32>,
    %add3A_381 = arith.addf %add3A_378, %get3A_380 : vector<16xf32>
    %get3A_382 = arith.constant 960 : index
    %get3A_383 = tpu.vector_load %arg7[%get3A_382] {strides = array<i32>} : memref<1024xf32, #tpu.memory_space<vmem>>, vector<16xf32>,
    %add3A_384 = arith.addf %add3A_381, %get3A_383 : vector<16xf32>
    %swap3A_385 = arith.constant 192 : index
    %swap3A_386 = tpu.vector_load %arg8[%swap3A_385] {strides = array<i32>} : memref<256xf32, #tpu.memory_space<vmem>>, vector<16xf32>,
    tpu.vector_store %arg8[%swap3A_385], %add3A_384 {strides = array<i32>} : memref<256xf32, #tpu.memory_space<vmem>>, vector<16xf32>,
    %get3A_387 = arith.constant 208 : index
    %get3A_388 = tpu.vector_load %arg7[%get3A_387] {strides = array<i32>} : memref<1024xf32, #tpu.memory_space<vmem>>, vector<16xf32>,
    %get3A_389 = arith.constant 464 : index
    %get3A_390 = tpu.vector_load %arg7[%get3A_389] {strides = array<i32>} : memref<1024xf32, #tpu.memory_space<vmem>>, vector<16xf32>,
    %add3A_391 = arith.addf %get3A_388, %get3A_390 : vector<16xf32>
    %get3A_392 = arith.constant 720 : index
    %get3A_393 = tpu.vector_load %arg7[%get3A_392] {strides = array<i32>} : memref<1024xf32, #tpu.memory_space<vmem>>, vector<16xf32>,
    %add3A_394 = arith.addf %add3A_391, %get3A_393 : vector<16xf32>
    %get3A_395 = arith.constant 976 : index
    %get3A_396 = tpu.vector_load %arg7[%get3A_395] {strides = array<i32>} : memref<1024xf32, #tpu.memory_space<vmem>>, vector<16xf32>,
    %add3A_397 = arith.addf %add3A_394, %get3A_396 : vector<16xf32>
    %swap3A_398 = arith.constant 208 : index
    %swap3A_399 = tpu.vector_load %arg8[%swap3A_398] {strides = array<i32>} : memref<256xf32, #tpu.memory_space<vmem>>, vector<16xf32>,
    tpu.vector_store %arg8[%swap3A_398], %add3A_397 {strides = array<i32>} : memref<256xf32, #tpu.memory_space<vmem>>, vector<16xf32>,
    %get3A_400 = arith.constant 224 : index
    %get3A_401 = tpu.vector_load %arg7[%get3A_400] {strides = array<i32>} : memref<1024xf32, #tpu.memory_space<vmem>>, vector<16xf32>,
    %get3A_402 = arith.constant 480 : index
    %get3A_403 = tpu.vector_load %arg7[%get3A_402] {strides = array<i32>} : memref<1024xf32, #tpu.memory_space<vmem>>, vector<16xf32>,
    %add3A_404 = arith.addf %get3A_401, %get3A_403 : vector<16xf32>
    %get3A_405 = arith.constant 736 : index
    %get3A_406 = tpu.vector_load %arg7[%get3A_405] {strides = array<i32>} : memref<1024xf32, #tpu.memory_space<vmem>>, vector<16xf32>,
    %add3A_407 = arith.addf %add3A_404, %get3A_406 : vector<16xf32>
    %get3A_408 = arith.constant 992 : index
    %get3A_409 = tpu.vector_load %arg7[%get3A_408] {strides = array<i32>} : memref<1024xf32, #tpu.memory_space<vmem>>, vector<16xf32>,
    %add3A_410 = arith.addf %add3A_407, %get3A_409 : vector<16xf32>
    %swap3A_411 = arith.constant 224 : index
    %swap3A_412 = tpu.vector_load %arg8[%swap3A_411] {strides = array<i32>} : memref<256xf32, #tpu.memory_space<vmem>>, vector<16xf32>,
    tpu.vector_store %arg8[%swap3A_411], %add3A_410 {strides = array<i32>} : memref<256xf32, #tpu.memory_space<vmem>>, vector<16xf32>,
    %get3A_413 = arith.constant 240 : index
    %get3A_414 = tpu.vector_load %arg7[%get3A_413] {strides = array<i32>} : memref<1024xf32, #tpu.memory_space<vmem>>, vector<16xf32>,
    %get3A_415 = arith.constant 496 : index
    %get3A_416 = tpu.vector_load %arg7[%get3A_415] {strides = array<i32>} : memref<1024xf32, #tpu.memory_space<vmem>>, vector<16xf32>,
    %add3A_417 = arith.addf %get3A_414, %get3A_416 : vector<16xf32>
    %get3A_418 = arith.constant 752 : index
    %get3A_419 = tpu.vector_load %arg7[%get3A_418] {strides = array<i32>} : memref<1024xf32, #tpu.memory_space<vmem>>, vector<16xf32>,
    %add3A_420 = arith.addf %add3A_417, %get3A_419 : vector<16xf32>
    %get3A_421 = arith.constant 1008 : index
    %get3A_422 = tpu.vector_load %arg7[%get3A_421] {strides = array<i32>} : memref<1024xf32, #tpu.memory_space<vmem>>, vector<16xf32>,
    %add3A_423 = arith.addf %add3A_420, %get3A_422 : vector<16xf32>
    %swap3A_424 = arith.constant 240 : index
    %swap3A_425 = tpu.vector_load %arg8[%swap3A_424] {strides = array<i32>} : memref<256xf32, #tpu.memory_space<vmem>>, vector<16xf32>,
    tpu.vector_store %arg8[%swap3A_424], %add3A_423 {strides = array<i32>} : memref<256xf32, #tpu.memory_space<vmem>>, vector<16xf32>,
    "tpu.region"() ({
      %run_scoped3A = tpu.sem_alloc : memref<!tpu.dma_semaphore, #tpu.memory_space<semaphore_mem>>
      %dma_start3A_426 = arith.constant 0 : i32
      %dma_start3A_427 = tpu.memref_slice %arg4[%add3A, %dma_start3A_426] : memref<32x256xf32, #tpu.memory_space<hbm>> -> memref<1x256xf32, #tpu.memory_space<hbm>>
      %dma_start3A_428 = tpu.memref_squeeze %dma_start3A_427 : memref<1x256xf32, #tpu.memory_space<hbm>> -> memref<256xf32, #tpu.memory_space<hbm>>
      %dma_start3A_429 = arith.constant 0 : i32
      %dma_start3A_430 = tpu.memref_slice %arg4[%add3A, %dma_start3A_429] : memref<32x256xf32, #tpu.memory_space<hbm>> -> memref<1x256xf32, #tpu.memory_space<hbm>>
      %dma_start3A_431 = tpu.memref_squeeze %dma_start3A_430 : memref<1x256xf32, #tpu.memory_space<hbm>> -> memref<256xf32, #tpu.memory_space<hbm>>
      tpu.enqueue_dma source(%arg8 : memref<256xf32, #tpu.memory_space<vmem>>) target(%dma_start3A_431 : memref<256xf32, #tpu.memory_space<hbm>>) target_semaphore(%run_scoped3A : memref<!tpu.dma_semaphore, #tpu.memory_space<semaphore_mem>>)
      %dma_wait3A_432 = arith.constant 0 : i32
      %dma_wait3A_433 = tpu.memref_slice %arg4[%add3A, %dma_wait3A_432] : memref<32x256xf32, #tpu.memory_space<hbm>> -> memref<1x256xf32, #tpu.memory_space<hbm>>
      %dma_wait3A_434 = tpu.memref_squeeze %dma_wait3A_433 : memref<1x256xf32, #tpu.memory_space<hbm>> -> memref<256xf32, #tpu.memory_space<hbm>>
      %dma_wait3A_435 = arith.constant 0 : i32
      %dma_wait3A_436 = tpu.memref_slice %arg4[%add3A, %dma_wait3A_435] : memref<32x256xf32, #tpu.memory_space<hbm>> -> memref<1x256xf32, #tpu.memory_space<hbm>>
      %dma_wait3A_437 = tpu.memref_squeeze %dma_wait3A_436 : memref<1x256xf32, #tpu.memory_space<hbm>> -> memref<256xf32, #tpu.memory_space<hbm>>
      tpu.wait_dma2 semaphore(%run_scoped3A : memref<!tpu.dma_semaphore, #tpu.memory_space<semaphore_mem>>) src(%arg8 : memref<256xf32, #tpu.memory_space<vmem>>) dst(%dma_wait3A_437 : memref<256xf32, #tpu.memory_space<hbm>>)
      tpu.yield
    }) : () -> ()
    return
  }
}

module attributes {stable_mosaic.version = 14 : i64} {
  func.func @_tc_combine(%arg0: memref<32x256xf32, #tpu.memory_space<vmem>>, %arg1: memref<1x1xf32, #tpu.memory_space<smem>>) attributes {dimension_semantics = [], scalar_prefetch = 0 : i64, scratch_operands = 0 : i64, tpu.core_type = #tpu.core_type<tc>} {
    %get3A = arith.constant 0 : index
    %get3A_0 = arith.constant 0 : index
    %get3A_1 = vector.load %arg0[%get3A, %get3A_0] : memref<32x256xf32, #tpu.memory_space<vmem>>, vector<32x256xf32>
    %iota3A = tpu.iota {dimensions = array<i32: 1>} : vector<32x256xi32>
    %shift_right_arithmetic3A = arith.constant 4 : i32
    %shift_right_arithmetic3A_2 = vector.broadcast %shift_right_arithmetic3A : i32 to vector<32x256xi32>
    %shift_right_arithmetic3A_3 = arith.shrsi %iota3A, %shift_right_arithmetic3A_2 : vector<32x256xi32>
    %eq3A = arith.constant 0 : i32
    %eq3A_4 = vector.broadcast %eq3A : i32 to vector<32x256xi32>
    %eq3A_5 = arith.cmpi eq, %shift_right_arithmetic3A_3, %eq3A_4 : vector<32x256xi32>
    %jit3A = arith.constant 0.000000e+00 : f32
    %broadcast_in_dim3A = vector.broadcast %jit3A : f32 to vector<32x256xf32>
    %select_n3A = arith.select %eq3A_5, %get3A_1, %broadcast_in_dim3A : vector<32x256xi1>, vector<32x256xf32>
    %reduce_sum3A = vector.shape_cast %select_n3A : vector<32x256xf32> to vector<1x32x256xf32>
    %reduce_sum3A_6 = arith.constant dense<0.000000e+00> : vector<1xf32>
    %reduce_sum3A_7 = vector.multi_reduction <add>, %reduce_sum3A, %reduce_sum3A_6 [1, 2] : vector<1x32x256xf32> to vector<1xf32>
    %reduce_sum3A_8 = vector.shape_cast %reduce_sum3A_7 : vector<1xf32> to vector<1x1x1xf32>
    %reduce_sum3A_9 = vector.extract %reduce_sum3A_8[0, 0, 0] : f32 from vector<1x1x1xf32>
    %abs3A = math.absf %reduce_sum3A_9 : f32
    %add3A = arith.constant 0.000000e+00 : f32
    %add3A_10 = arith.addf %add3A, %abs3A : f32
    %eq3A_11 = arith.constant 1 : i32
    %eq3A_12 = vector.broadcast %eq3A_11 : i32 to vector<32x256xi32>
    %eq3A_13 = arith.cmpi eq, %shift_right_arithmetic3A_3, %eq3A_12 : vector<32x256xi32>
    %jit3A_14 = arith.constant 0.000000e+00 : f32
    %broadcast_in_dim3A_15 = vector.broadcast %jit3A_14 : f32 to vector<32x256xf32>
    %select_n3A_16 = arith.select %eq3A_13, %get3A_1, %broadcast_in_dim3A_15 : vector<32x256xi1>, vector<32x256xf32>
    %reduce_sum3A_17 = vector.shape_cast %select_n3A_16 : vector<32x256xf32> to vector<1x32x256xf32>
    %reduce_sum3A_18 = arith.constant dense<0.000000e+00> : vector<1xf32>
    %reduce_sum3A_19 = vector.multi_reduction <add>, %reduce_sum3A_17, %reduce_sum3A_18 [1, 2] : vector<1x32x256xf32> to vector<1xf32>
    %reduce_sum3A_20 = vector.shape_cast %reduce_sum3A_19 : vector<1xf32> to vector<1x1x1xf32>
    %reduce_sum3A_21 = vector.extract %reduce_sum3A_20[0, 0, 0] : f32 from vector<1x1x1xf32>
    %abs3A_22 = math.absf %reduce_sum3A_21 : f32
    %add3A_23 = arith.addf %add3A_10, %abs3A_22 : f32
    %eq3A_24 = arith.constant 2 : i32
    %eq3A_25 = vector.broadcast %eq3A_24 : i32 to vector<32x256xi32>
    %eq3A_26 = arith.cmpi eq, %shift_right_arithmetic3A_3, %eq3A_25 : vector<32x256xi32>
    %jit3A_27 = arith.constant 0.000000e+00 : f32
    %broadcast_in_dim3A_28 = vector.broadcast %jit3A_27 : f32 to vector<32x256xf32>
    %select_n3A_29 = arith.select %eq3A_26, %get3A_1, %broadcast_in_dim3A_28 : vector<32x256xi1>, vector<32x256xf32>
    %reduce_sum3A_30 = vector.shape_cast %select_n3A_29 : vector<32x256xf32> to vector<1x32x256xf32>
    %reduce_sum3A_31 = arith.constant dense<0.000000e+00> : vector<1xf32>
    %reduce_sum3A_32 = vector.multi_reduction <add>, %reduce_sum3A_30, %reduce_sum3A_31 [1, 2] : vector<1x32x256xf32> to vector<1xf32>
    %reduce_sum3A_33 = vector.shape_cast %reduce_sum3A_32 : vector<1xf32> to vector<1x1x1xf32>
    %reduce_sum3A_34 = vector.extract %reduce_sum3A_33[0, 0, 0] : f32 from vector<1x1x1xf32>
    %abs3A_35 = math.absf %reduce_sum3A_34 : f32
    %add3A_36 = arith.addf %add3A_23, %abs3A_35 : f32
    %eq3A_37 = arith.constant 3 : i32
    %eq3A_38 = vector.broadcast %eq3A_37 : i32 to vector<32x256xi32>
    %eq3A_39 = arith.cmpi eq, %shift_right_arithmetic3A_3, %eq3A_38 : vector<32x256xi32>
    %jit3A_40 = arith.constant 0.000000e+00 : f32
    %broadcast_in_dim3A_41 = vector.broadcast %jit3A_40 : f32 to vector<32x256xf32>
    %select_n3A_42 = arith.select %eq3A_39, %get3A_1, %broadcast_in_dim3A_41 : vector<32x256xi1>, vector<32x256xf32>
    %reduce_sum3A_43 = vector.shape_cast %select_n3A_42 : vector<32x256xf32> to vector<1x32x256xf32>
    %reduce_sum3A_44 = arith.constant dense<0.000000e+00> : vector<1xf32>
    %reduce_sum3A_45 = vector.multi_reduction <add>, %reduce_sum3A_43, %reduce_sum3A_44 [1, 2] : vector<1x32x256xf32> to vector<1xf32>
    %reduce_sum3A_46 = vector.shape_cast %reduce_sum3A_45 : vector<1xf32> to vector<1x1x1xf32>
    %reduce_sum3A_47 = vector.extract %reduce_sum3A_46[0, 0, 0] : f32 from vector<1x1x1xf32>
    %abs3A_48 = math.absf %reduce_sum3A_47 : f32
    %add3A_49 = arith.addf %add3A_36, %abs3A_48 : f32
    %eq3A_50 = arith.constant 4 : i32
    %eq3A_51 = vector.broadcast %eq3A_50 : i32 to vector<32x256xi32>
    %eq3A_52 = arith.cmpi eq, %shift_right_arithmetic3A_3, %eq3A_51 : vector<32x256xi32>
    %jit3A_53 = arith.constant 0.000000e+00 : f32
    %broadcast_in_dim3A_54 = vector.broadcast %jit3A_53 : f32 to vector<32x256xf32>
    %select_n3A_55 = arith.select %eq3A_52, %get3A_1, %broadcast_in_dim3A_54 : vector<32x256xi1>, vector<32x256xf32>
    %reduce_sum3A_56 = vector.shape_cast %select_n3A_55 : vector<32x256xf32> to vector<1x32x256xf32>
    %reduce_sum3A_57 = arith.constant dense<0.000000e+00> : vector<1xf32>
    %reduce_sum3A_58 = vector.multi_reduction <add>, %reduce_sum3A_56, %reduce_sum3A_57 [1, 2] : vector<1x32x256xf32> to vector<1xf32>
    %reduce_sum3A_59 = vector.shape_cast %reduce_sum3A_58 : vector<1xf32> to vector<1x1x1xf32>
    %reduce_sum3A_60 = vector.extract %reduce_sum3A_59[0, 0, 0] : f32 from vector<1x1x1xf32>
    %abs3A_61 = math.absf %reduce_sum3A_60 : f32
    %add3A_62 = arith.addf %add3A_49, %abs3A_61 : f32
    %eq3A_63 = arith.constant 5 : i32
    %eq3A_64 = vector.broadcast %eq3A_63 : i32 to vector<32x256xi32>
    %eq3A_65 = arith.cmpi eq, %shift_right_arithmetic3A_3, %eq3A_64 : vector<32x256xi32>
    %jit3A_66 = arith.constant 0.000000e+00 : f32
    %broadcast_in_dim3A_67 = vector.broadcast %jit3A_66 : f32 to vector<32x256xf32>
    %select_n3A_68 = arith.select %eq3A_65, %get3A_1, %broadcast_in_dim3A_67 : vector<32x256xi1>, vector<32x256xf32>
    %reduce_sum3A_69 = vector.shape_cast %select_n3A_68 : vector<32x256xf32> to vector<1x32x256xf32>
    %reduce_sum3A_70 = arith.constant dense<0.000000e+00> : vector<1xf32>
    %reduce_sum3A_71 = vector.multi_reduction <add>, %reduce_sum3A_69, %reduce_sum3A_70 [1, 2] : vector<1x32x256xf32> to vector<1xf32>
    %reduce_sum3A_72 = vector.shape_cast %reduce_sum3A_71 : vector<1xf32> to vector<1x1x1xf32>
    %reduce_sum3A_73 = vector.extract %reduce_sum3A_72[0, 0, 0] : f32 from vector<1x1x1xf32>
    %abs3A_74 = math.absf %reduce_sum3A_73 : f32
    %add3A_75 = arith.addf %add3A_62, %abs3A_74 : f32
    %eq3A_76 = arith.constant 6 : i32
    %eq3A_77 = vector.broadcast %eq3A_76 : i32 to vector<32x256xi32>
    %eq3A_78 = arith.cmpi eq, %shift_right_arithmetic3A_3, %eq3A_77 : vector<32x256xi32>
    %jit3A_79 = arith.constant 0.000000e+00 : f32
    %broadcast_in_dim3A_80 = vector.broadcast %jit3A_79 : f32 to vector<32x256xf32>
    %select_n3A_81 = arith.select %eq3A_78, %get3A_1, %broadcast_in_dim3A_80 : vector<32x256xi1>, vector<32x256xf32>
    %reduce_sum3A_82 = vector.shape_cast %select_n3A_81 : vector<32x256xf32> to vector<1x32x256xf32>
    %reduce_sum3A_83 = arith.constant dense<0.000000e+00> : vector<1xf32>
    %reduce_sum3A_84 = vector.multi_reduction <add>, %reduce_sum3A_82, %reduce_sum3A_83 [1, 2] : vector<1x32x256xf32> to vector<1xf32>
    %reduce_sum3A_85 = vector.shape_cast %reduce_sum3A_84 : vector<1xf32> to vector<1x1x1xf32>
    %reduce_sum3A_86 = vector.extract %reduce_sum3A_85[0, 0, 0] : f32 from vector<1x1x1xf32>
    %abs3A_87 = math.absf %reduce_sum3A_86 : f32
    %add3A_88 = arith.addf %add3A_75, %abs3A_87 : f32
    %eq3A_89 = arith.constant 7 : i32
    %eq3A_90 = vector.broadcast %eq3A_89 : i32 to vector<32x256xi32>
    %eq3A_91 = arith.cmpi eq, %shift_right_arithmetic3A_3, %eq3A_90 : vector<32x256xi32>
    %jit3A_92 = arith.constant 0.000000e+00 : f32
    %broadcast_in_dim3A_93 = vector.broadcast %jit3A_92 : f32 to vector<32x256xf32>
    %select_n3A_94 = arith.select %eq3A_91, %get3A_1, %broadcast_in_dim3A_93 : vector<32x256xi1>, vector<32x256xf32>
    %reduce_sum3A_95 = vector.shape_cast %select_n3A_94 : vector<32x256xf32> to vector<1x32x256xf32>
    %reduce_sum3A_96 = arith.constant dense<0.000000e+00> : vector<1xf32>
    %reduce_sum3A_97 = vector.multi_reduction <add>, %reduce_sum3A_95, %reduce_sum3A_96 [1, 2] : vector<1x32x256xf32> to vector<1xf32>
    %reduce_sum3A_98 = vector.shape_cast %reduce_sum3A_97 : vector<1xf32> to vector<1x1x1xf32>
    %reduce_sum3A_99 = vector.extract %reduce_sum3A_98[0, 0, 0] : f32 from vector<1x1x1xf32>
    %abs3A_100 = math.absf %reduce_sum3A_99 : f32
    %add3A_101 = arith.addf %add3A_88, %abs3A_100 : f32
    %eq3A_102 = arith.constant 8 : i32
    %eq3A_103 = vector.broadcast %eq3A_102 : i32 to vector<32x256xi32>
    %eq3A_104 = arith.cmpi eq, %shift_right_arithmetic3A_3, %eq3A_103 : vector<32x256xi32>
    %jit3A_105 = arith.constant 0.000000e+00 : f32
    %broadcast_in_dim3A_106 = vector.broadcast %jit3A_105 : f32 to vector<32x256xf32>
    %select_n3A_107 = arith.select %eq3A_104, %get3A_1, %broadcast_in_dim3A_106 : vector<32x256xi1>, vector<32x256xf32>
    %reduce_sum3A_108 = vector.shape_cast %select_n3A_107 : vector<32x256xf32> to vector<1x32x256xf32>
    %reduce_sum3A_109 = arith.constant dense<0.000000e+00> : vector<1xf32>
    %reduce_sum3A_110 = vector.multi_reduction <add>, %reduce_sum3A_108, %reduce_sum3A_109 [1, 2] : vector<1x32x256xf32> to vector<1xf32>
    %reduce_sum3A_111 = vector.shape_cast %reduce_sum3A_110 : vector<1xf32> to vector<1x1x1xf32>
    %reduce_sum3A_112 = vector.extract %reduce_sum3A_111[0, 0, 0] : f32 from vector<1x1x1xf32>
    %abs3A_113 = math.absf %reduce_sum3A_112 : f32
    %add3A_114 = arith.addf %add3A_101, %abs3A_113 : f32
    %eq3A_115 = arith.constant 9 : i32
    %eq3A_116 = vector.broadcast %eq3A_115 : i32 to vector<32x256xi32>
    %eq3A_117 = arith.cmpi eq, %shift_right_arithmetic3A_3, %eq3A_116 : vector<32x256xi32>
    %jit3A_118 = arith.constant 0.000000e+00 : f32
    %broadcast_in_dim3A_119 = vector.broadcast %jit3A_118 : f32 to vector<32x256xf32>
    %select_n3A_120 = arith.select %eq3A_117, %get3A_1, %broadcast_in_dim3A_119 : vector<32x256xi1>, vector<32x256xf32>
    %reduce_sum3A_121 = vector.shape_cast %select_n3A_120 : vector<32x256xf32> to vector<1x32x256xf32>
    %reduce_sum3A_122 = arith.constant dense<0.000000e+00> : vector<1xf32>
    %reduce_sum3A_123 = vector.multi_reduction <add>, %reduce_sum3A_121, %reduce_sum3A_122 [1, 2] : vector<1x32x256xf32> to vector<1xf32>
    %reduce_sum3A_124 = vector.shape_cast %reduce_sum3A_123 : vector<1xf32> to vector<1x1x1xf32>
    %reduce_sum3A_125 = vector.extract %reduce_sum3A_124[0, 0, 0] : f32 from vector<1x1x1xf32>
    %abs3A_126 = math.absf %reduce_sum3A_125 : f32
    %add3A_127 = arith.addf %add3A_114, %abs3A_126 : f32
    %eq3A_128 = arith.constant 10 : i32
    %eq3A_129 = vector.broadcast %eq3A_128 : i32 to vector<32x256xi32>
    %eq3A_130 = arith.cmpi eq, %shift_right_arithmetic3A_3, %eq3A_129 : vector<32x256xi32>
    %jit3A_131 = arith.constant 0.000000e+00 : f32
    %broadcast_in_dim3A_132 = vector.broadcast %jit3A_131 : f32 to vector<32x256xf32>
    %select_n3A_133 = arith.select %eq3A_130, %get3A_1, %broadcast_in_dim3A_132 : vector<32x256xi1>, vector<32x256xf32>
    %reduce_sum3A_134 = vector.shape_cast %select_n3A_133 : vector<32x256xf32> to vector<1x32x256xf32>
    %reduce_sum3A_135 = arith.constant dense<0.000000e+00> : vector<1xf32>
    %reduce_sum3A_136 = vector.multi_reduction <add>, %reduce_sum3A_134, %reduce_sum3A_135 [1, 2] : vector<1x32x256xf32> to vector<1xf32>
    %reduce_sum3A_137 = vector.shape_cast %reduce_sum3A_136 : vector<1xf32> to vector<1x1x1xf32>
    %reduce_sum3A_138 = vector.extract %reduce_sum3A_137[0, 0, 0] : f32 from vector<1x1x1xf32>
    %abs3A_139 = math.absf %reduce_sum3A_138 : f32
    %add3A_140 = arith.addf %add3A_127, %abs3A_139 : f32
    %eq3A_141 = arith.constant 11 : i32
    %eq3A_142 = vector.broadcast %eq3A_141 : i32 to vector<32x256xi32>
    %eq3A_143 = arith.cmpi eq, %shift_right_arithmetic3A_3, %eq3A_142 : vector<32x256xi32>
    %jit3A_144 = arith.constant 0.000000e+00 : f32
    %broadcast_in_dim3A_145 = vector.broadcast %jit3A_144 : f32 to vector<32x256xf32>
    %select_n3A_146 = arith.select %eq3A_143, %get3A_1, %broadcast_in_dim3A_145 : vector<32x256xi1>, vector<32x256xf32>
    %reduce_sum3A_147 = vector.shape_cast %select_n3A_146 : vector<32x256xf32> to vector<1x32x256xf32>
    %reduce_sum3A_148 = arith.constant dense<0.000000e+00> : vector<1xf32>
    %reduce_sum3A_149 = vector.multi_reduction <add>, %reduce_sum3A_147, %reduce_sum3A_148 [1, 2] : vector<1x32x256xf32> to vector<1xf32>
    %reduce_sum3A_150 = vector.shape_cast %reduce_sum3A_149 : vector<1xf32> to vector<1x1x1xf32>
    %reduce_sum3A_151 = vector.extract %reduce_sum3A_150[0, 0, 0] : f32 from vector<1x1x1xf32>
    %abs3A_152 = math.absf %reduce_sum3A_151 : f32
    %add3A_153 = arith.addf %add3A_140, %abs3A_152 : f32
    %eq3A_154 = arith.constant 12 : i32
    %eq3A_155 = vector.broadcast %eq3A_154 : i32 to vector<32x256xi32>
    %eq3A_156 = arith.cmpi eq, %shift_right_arithmetic3A_3, %eq3A_155 : vector<32x256xi32>
    %jit3A_157 = arith.constant 0.000000e+00 : f32
    %broadcast_in_dim3A_158 = vector.broadcast %jit3A_157 : f32 to vector<32x256xf32>
    %select_n3A_159 = arith.select %eq3A_156, %get3A_1, %broadcast_in_dim3A_158 : vector<32x256xi1>, vector<32x256xf32>
    %reduce_sum3A_160 = vector.shape_cast %select_n3A_159 : vector<32x256xf32> to vector<1x32x256xf32>
    %reduce_sum3A_161 = arith.constant dense<0.000000e+00> : vector<1xf32>
    %reduce_sum3A_162 = vector.multi_reduction <add>, %reduce_sum3A_160, %reduce_sum3A_161 [1, 2] : vector<1x32x256xf32> to vector<1xf32>
    %reduce_sum3A_163 = vector.shape_cast %reduce_sum3A_162 : vector<1xf32> to vector<1x1x1xf32>
    %reduce_sum3A_164 = vector.extract %reduce_sum3A_163[0, 0, 0] : f32 from vector<1x1x1xf32>
    %abs3A_165 = math.absf %reduce_sum3A_164 : f32
    %add3A_166 = arith.addf %add3A_153, %abs3A_165 : f32
    %eq3A_167 = arith.constant 13 : i32
    %eq3A_168 = vector.broadcast %eq3A_167 : i32 to vector<32x256xi32>
    %eq3A_169 = arith.cmpi eq, %shift_right_arithmetic3A_3, %eq3A_168 : vector<32x256xi32>
    %jit3A_170 = arith.constant 0.000000e+00 : f32
    %broadcast_in_dim3A_171 = vector.broadcast %jit3A_170 : f32 to vector<32x256xf32>
    %select_n3A_172 = arith.select %eq3A_169, %get3A_1, %broadcast_in_dim3A_171 : vector<32x256xi1>, vector<32x256xf32>
    %reduce_sum3A_173 = vector.shape_cast %select_n3A_172 : vector<32x256xf32> to vector<1x32x256xf32>
    %reduce_sum3A_174 = arith.constant dense<0.000000e+00> : vector<1xf32>
    %reduce_sum3A_175 = vector.multi_reduction <add>, %reduce_sum3A_173, %reduce_sum3A_174 [1, 2] : vector<1x32x256xf32> to vector<1xf32>
    %reduce_sum3A_176 = vector.shape_cast %reduce_sum3A_175 : vector<1xf32> to vector<1x1x1xf32>
    %reduce_sum3A_177 = vector.extract %reduce_sum3A_176[0, 0, 0] : f32 from vector<1x1x1xf32>
    %abs3A_178 = math.absf %reduce_sum3A_177 : f32
    %add3A_179 = arith.addf %add3A_166, %abs3A_178 : f32
    %eq3A_180 = arith.constant 14 : i32
    %eq3A_181 = vector.broadcast %eq3A_180 : i32 to vector<32x256xi32>
    %eq3A_182 = arith.cmpi eq, %shift_right_arithmetic3A_3, %eq3A_181 : vector<32x256xi32>
    %jit3A_183 = arith.constant 0.000000e+00 : f32
    %broadcast_in_dim3A_184 = vector.broadcast %jit3A_183 : f32 to vector<32x256xf32>
    %select_n3A_185 = arith.select %eq3A_182, %get3A_1, %broadcast_in_dim3A_184 : vector<32x256xi1>, vector<32x256xf32>
    %reduce_sum3A_186 = vector.shape_cast %select_n3A_185 : vector<32x256xf32> to vector<1x32x256xf32>
    %reduce_sum3A_187 = arith.constant dense<0.000000e+00> : vector<1xf32>
    %reduce_sum3A_188 = vector.multi_reduction <add>, %reduce_sum3A_186, %reduce_sum3A_187 [1, 2] : vector<1x32x256xf32> to vector<1xf32>
    %reduce_sum3A_189 = vector.shape_cast %reduce_sum3A_188 : vector<1xf32> to vector<1x1x1xf32>
    %reduce_sum3A_190 = vector.extract %reduce_sum3A_189[0, 0, 0] : f32 from vector<1x1x1xf32>
    %abs3A_191 = math.absf %reduce_sum3A_190 : f32
    %add3A_192 = arith.addf %add3A_179, %abs3A_191 : f32
    %div3A = arith.constant 0x49800000 : f32
    %div3A_193 = arith.divf %add3A_192, %div3A : f32
    %swap3A = arith.constant 0 : index
    %swap3A_194 = arith.constant 0 : index
    %swap3A_195 = memref.load %arg1[%swap3A, %swap3A_194] : memref<1x1xf32, #tpu.memory_space<smem>>
    memref.store %div3A_193, %arg1[%swap3A, %swap3A_194] : memref<1x1xf32, #tpu.memory_space<smem>>
    return
  }
}

</mosaic_0001>

<sc_bundles>
// kernel: kernel.4.cloned.1.call-start
scs
__scs_entry_jumppad:
0x0: {  	(pc) =	sbr.rel $0x88, $3  }
0x1: {  	(tag) =	ssettag $0x0;
	lr =	simm.s32 $0x1  }
0x2: {  	[smem:$0x3F9F] =	sst lr;
	_ =	strace $0xD0000000  }
0x3: {  	_ = 	snop  }
0x4: {  	_ = 	snop  }
0x5: {  	_ = 	snop  }
0x6: {  	_ = 	snop  }
0x7: {  	_ = 	snop  }
__scs_overlays_trampoline_lowered:
0x8: {  	[smem:$0x3FAE] =	sst s0  }
0x9: {  	[smem:$0x3FAF] =	sst s1  }
0xa: {  	[smem:$0x3FB0] =	sst s2  }
0xb: {  	[smem:$0x3FB1] =	sst s3  }
0xc: {  	[smem:$0x3FB2] =	sst s4  }
0xd: {  	[smem:$0x3FB3] =	sst s5  }
0xe: {  	[smem:$0x3FB4] =	sst s6  }
0xf: {  	[smem:$0x3FB5] =	sst s7  }
0x10: {  	[smem:$0x3FB6] =	sst s8  }
0x11: {  	[smem:$0x3FB7] =	sst s9;
	s0 =	simm.s32 @!p0 $0x0  }
0x12: {  	s1 =	sld [smem:$0x3F9D];
	s0 =	simm.s32 @p0 $0x1  }
0x13: {  	[smem:$0x3FB8] =	sst s0;
	s0 =	simm.s32 @!p1 $0x0  }
0x14: {  	s2 =	sld [smem:$0x3F9C];
	s0 =	simm.s32 @p1 $0x1  }
0x15: {  	[smem:$0x3FB9] =	sst s0;
	s0 =	simm.s32 @!p2 $0x0  }
0x16: {  	s3 =	sld [smem:$0x3FDB];
	s0 =	simm.s32 @p2 $0x1  }
0x17: {  	s4 =	simm.s32 $0x1BF5;
	[smem:$0x3FBB] =	sst s0  }
0x18: {  	s0 =	sld [smem:$0x3F9E];
	_ =	swait.ge [sflag:s4], $0x0  }
0x19: {  	s7 =	sld [smem:$0x3F9F]  }
0x1a: {  	s8 =	sadd.s32 $0xFFFFE003, lr  }
0x1b: {  	s9 =	sadd.s32 $0xFFFFFEF7, lr;
	s5 =	simm.s32 $0xFFFFFFFF;
	p2 =	slt.u32 s8, $0xFFFFF086  }
0x1c: {  	p1 =	slt.u32 s9, $0xF7A;
	s5 =	simm.s32 @!p2 $0x0  }
0x1d: {  	s5 =	simm.s32 @p1 $0x1;
	p0 =	seq.s32 s7, s2  }
0x1e: {  	s7 =	smul.u32 @!p0 $0xF7A, s2;
	p2 =	seq.s32 @!p0 s5, $0x0  }
0x1f: {  	s9 =	smul.u32 $0xF7A, s1;
	s8 =	simm.s32 @!p0 $0x1BF5;
	p2 =	por !p2, p0  }
0x20: {  	[sflag:s8] =	ssyncset.s32 @!p0 $0xFFFFF086;
	s6 =	sadd.s32 @!p0 s3, s7;
	s7 =	simm.s32 @!p0 $0x108  }
0x21: {  	s3 =	sadd.s32 s3, s9;
	s6 =	sadd.s32 @!p0 $0x88, s6;
	s7 =	simm.s32 @p2 $0x1082  }
0x22: {  	[simem:s7], [sflag:s8] =	dma.local @!p0 [hbm:s6], $0xF7A  }
0x23: {  	s9 =	sor.u32 $0xD0000000, s2;
	s6 =	simm.s32 $0x108;
	_ =	swait.ge @!p0 [sflag:s8], $0x0  }
0x24: {  	s3 =	sadd.s32 $0x88, s3;
	s6 =	simm.s32 @!p1 $0x1082;
	[sflag:s4] =	ssyncset.s32 $0xFFFFF086  }
0x25: {  	[simem:s6], [sflag:s4] =	dma.local [hbm:s3], $0xF7A  }
0x26: {  	[smem:$0x3F9F] =	sst s1;
	(tag) =	ssettag s2;
	_ =	strace s9  }
0x27: {  	s1 =	sld [smem:$0x3FAF]  }
0x28: {  	s2 =	sld [smem:$0x3FB0]  }
0x29: {  	s4 =	sld [smem:$0x3FB2]  }
0x2a: {  	p0 =	seq.s32 s5, $0x0;
	s5 =	sld [smem:$0x3FB3]  }
0x2b: {  	s6 =	sld [smem:$0x3FB4]  }
0x2c: {  	s7 =	sld [smem:$0x3FB5]  }
0x2d: {  	s3 =	simm.s32 $0x108;
	s8 =	sld [smem:$0x3FB6]  }
0x2e: {  	s3 =	simm.s32 @!p0 $0x1082;
	s9 =	sld [smem:$0x3FB7]  }
0x2f: {  	lr =	sadd.s32 s0, s3;
	s0 =	sld [smem:$0x3FAE]  }
0x30: {  	s3 =	sld [smem:$0x3FB1]  }
0x31: {  	[smem:$0x3FBA] =	sst s10  }
0x32: {  	s10 =	sld [smem:$0x3FB8];
	_ =	sdelay $0x3  }
0x33: {  	p0 =	seq.s32 s10, $0x1;
	s10 =	sld [smem:$0x3FBA];
	_ =	sdelay $0x3  }
0x34: {  	[smem:$0x3FBA] =	sst s10  }
0x35: {  	s10 =	sld [smem:$0x3FB9];
	_ =	sdelay $0x3  }
0x36: {  	p1 =	seq.s32 s10, $0x1;
	s10 =	sld [smem:$0x3FBA];
	_ =	sdelay $0x3  }
0x37: {  	[smem:$0x3FBA] =	sst s10  }
0x38: {  	s10 =	sld [smem:$0x3FBB]  }
0x39: {  	_ = 	snop;
	(pc) =	sbr.ind lr, $3  }
0x3a: {  	_ = 	snop  }
0x3b: {  	_ = 	snop  }
0x3c: {  	p2 =	seq.s32 s10, $0x1;
	s10 =	sld [smem:$0x3FBA]  }
0x3d: {  	_ =	shalt  }
0x3e: {  	_ =	shalt  }
0x3f: {  	_ =	shalt  }
0x40: {  	_ =	shalt  }
0x41: {  	_ =	shalt  }
0x42: {  	_ =	shalt  }
0x43: {  	_ =	shalt  }
0x44: {  	_ =	shalt  }
0x45: {  	_ =	shalt  }
0x46: {  	_ =	shalt  }
0x47: {  	_ =	shalt  }
0x48: {  	_ =	shalt  }
0x49: {  	_ =	shalt  }
0x4a: {  	_ =	shalt  }
0x4b: {  	_ =	shalt  }
0x4c: {  	_ =	shalt  }
0x4d: {  	_ =	shalt  }
0x4e: {  	_ =	shalt  }
0x4f: {  	_ =	shalt  }
0x50: {  	_ =	shalt  }
0x51: {  	_ =	shalt  }
0x52: {  	_ =	shalt  }
0x53: {  	_ =	shalt  }
0x54: {  	_ =	shalt  }
0x55: {  	_ =	shalt  }
0x56: {  	_ =	shalt  }
0x57: {  	_ =	shalt  }
0x58: {  	_ =	shalt  }
0x59: {  	_ =	shalt  }
0x5a: {  	_ =	shalt  }
0x5b: {  	_ =	shalt  }
0x5c: {  	_ =	shalt  }
0x5d: {  	_ =	shalt  }
0x5e: {  	_ =	shalt  }
0x5f: {  	_ =	shalt  }
0x60: {  	_ =	shalt  }
0x61: {  	_ =	shalt  }
0x62: {  	_ =	shalt  }
0x63: {  	_ =	shalt  }
0x64: {  	_ =	shalt  }
0x65: {  	_ =	shalt  }
0x66: {  	_ =	shalt  }
0x67: {  	_ =	shalt  }
0x68: {  	_ =	shalt  }
0x69: {  	_ =	shalt  }
0x6a: {  	_ =	shalt  }
0x6b: {  	_ =	shalt  }
0x6c: {  	_ =	shalt  }
0x6d: {  	_ =	shalt  }
0x6e: {  	_ =	shalt  }
0x6f: {  	_ =	shalt  }
0x70: {  	_ =	shalt  }
0x71: {  	_ =	shalt  }
0x72: {  	_ =	shalt  }
0x73: {  	_ =	shalt  }
0x74: {  	_ =	shalt  }
0x75: {  	_ =	shalt  }
0x76: {  	_ =	shalt  }
0x77: {  	_ =	shalt  }
0x78: {  	_ =	shalt  }
0x79: {  	_ =	shalt  }
0x7a: {  	_ =	shalt  }
0x7b: {  	_ =	shalt  }
0x7c: {  	_ =	shalt  }
0x7d: {  	_ =	shalt  }
0x7e: {  	_ =	shalt  }
0x7f: {  	_ =	shalt  }
0x80: {  	_ =	shalt  }
0x81: {  	_ =	shalt  }
0x82: {  	_ =	shalt  }
0x83: {  	_ =	shalt  }
0x84: {  	_ =	shalt  }
0x85: {  	_ =	shalt  }
0x86: {  	_ =	shalt  }
0x87: {  	_ =	shalt  }
.Lfunc_end0:
.L_simem_size_0:
called_computation_lowered:
.L_overlay_start_0:
0x88: {  	s2 =	sld [smem:$0x3FD9]  }
0x89: {  	s3 =	sld [smem:$0x3FFE];
	_ =	sdelay $0x1  }
0x8a: {  	s1 =	srdreg.scid  }
0x8b: {  	s0 =	sand.u32 $0x1, s1  }
0x8c: {  	s17 =	sshll.u32 s0, $0xA;
	s2 =	sadd.s32 s3, s2  }
0x8d: {  	s2 =	sadd.s32 s2, s17  }
0x8e: {  	[smem:$0x3FC6] =	sst s2  }
0x8f: {  	_ = 	snop  }
0x90: {  	s2 =	sld [smem:$0x3FC9]  }
0x91: {  	s18 =	sld [smem:$0x3FC8];
	(tm) =	ssettm $0x1  }
0x92: {  	s4 =	sld [smem:$0x3FFB];
	_ =	sdelay $0x3  }
0x93: {  	_ =	strace s4  }
0x94: {  	s4 =	sld [smem:$0x3FFC];
	_ =	sdelay $0x3  }
0x95: {  	_ =	strace s4  }
0x96: {  	s4 =	sld [smem:$0x3FFD];
	_ =	sdelay $0x3  }
0x97: {  	_ =	strace s4  }
0x98: {  	_ =	strace $0x8FFFFFFF  }
0x99: {  	s19 =	sld [smem:$0x3FDB];
	_ =	sdelay $0x1  }
0x9a: {  	s5 =	simm.s32 $_scs_section_size  }
0x9b: {  	s6 =	simm.s32 $_size__tile_overlayer_lowered;
	s7 =	simm.s32 $_tile_overlayer_lowered  }
0x9c: {  	s22 =	simm.s32 $0x1BFF;
	s21 =	sshll.u32 s7, $0x1;
	s4 =	sadd.s32 s5, s19  }
0x9d: {  	s8 =	simm.s32 $0x0;
	s20 =	sshll.u32 s6, $0x1;
	s6 =	sadd.s32 s21, s4  }
0x9e: {  	[timem:s8], [sflag:s22] =	dma.local [hbm:s6], s20  }
0x9f: {  	_ =	swait.ge [sflag:s22], s20  }
0xa0: {  	s5 =	ssub.s32 $0x0, s20;
	[sflag:s22] =	ssyncset.done $0x0  }
0xa1: {  	[sflag:s22] =	ssyncadd.s32 s5;
	_ =	sdelay $0x1  }
0xa2: {  	s23 =	simm.s32 $0x1B8B  }
0xa3: {  	_ =	swait.ge [sflag:s23], $0x1  }
0xa4: {  	[sflag:s23] =	ssyncset.done $0x0  }
0xa5: {  	s25 =	simm.s32 $0x1B8E;
	s24 =	sld [smem:$0x3FFE];
	[sflag:s23] =	ssyncadd.s32 $0xFFFFFFFF  }
0xa6: {  	s26 =	simm.s32 $execute0_lowered;
	[smem:$0x3FD2] =	sst s25  }
0xa7: {  	s6 =	sshll.u32 s26, $0x1;
	_ =	strace $0x80000046;
	[dreg:$0x1] =	wrdreg $0xFFFFFFFF  }
0xa8: {  	s28 =	simm.s32 $_size_execute0_lowered;
	s4 =	sadd.s32 s4, s6;
	[dreg:$0x0] =	wrdreg $0x0  }
0xa9: {  	s6 =	sshll.u32 s28, $0x1;
	[dreg:$0x2] =	wrdreg s4  }
0xaa: {  	[dreg:$0x3] =	wrdreg s6  }
0xab: {  	[dreg:$0x4] =	wrdreg $0xC0  }
0xac: {  	_ =	task [dreg:s8], $0x5FFFF  }
0xad: {  	[dreg:$0x1] =	wrdreg $0xFFFFFFFF  }
0xae: {  	[dreg:$0x0] =	wrdreg $0x60  }
0xaf: {  	[dreg:$0x2] =	wrdreg s2  }
0xb0: {  	[dreg:$0x3] =	wrdreg s18  }
0xb1: {  	[dreg:$0x4] =	wrdreg s24  }
0xb2: {  	[dreg:$0x5] =	wrdreg $0x9  }
0xb3: {  	_ =	task.clear_ibuf [dreg:s8], $0x6FFFF;
	_ =	strace $0x90000046  }
0xb4: {  	s29 =	simm.s32 $0x9;
	_ =	strace $0x80000048  }
0xb5: {  	_ =	swait.ge [sflag:s29], $0x1  }
0xb6: {  	[sflag:s29] =	ssyncadd.s32 $0xFFFFFFFF  }
0xb7: {  	_ =	strace $0x90000048  }
0xb8: {  	_ =	sfence  }
0xb9: {  	s30 =	sld [smem:$0x0];
	_ =	sdelay $0x2  }
0xba: {  	s31 =	sshll.u32 s1, $0xD;
	s1 =	sshrl.u32 s1, $0x2  }
0xbb: {  	s3 =	sand.u32 $0x4000, s31;
	s1 =	sadd.s32 s1, s30  }
0xbc: {  	s0 =	sor.u32 s3, s0;
	s1 =	sshll.u32 s1, $0x11  }
0xbd: {  	s0 =	sor.u32 s1, s0  }
0xbe: {  	s0 =	sadd.s32 $0x8F2B, s0  }
0xbf: {  	[sflag:s0] =	ssyncadd.remote.s32 $0x1  }
0xc0: {  	_ =	sfence.sel $0xFFFF  }
0xc1: {  	[dreg:$0x0] =	wrdreg $0xFFFFFFFF;
	(pc) =	sbr.abs _section_cstart, $3  }
0xc2: {  	[dreg:$0x1] =	wrdreg $0xFFFFFFFF  }
0xc3: {  	_ =	task.clear_ibuf [dreg:s8], $0x2FFFF;
	_ =	strace $0x9FFFFFFF  }
0xc4: {  	(tm) =	ssettm $0x7FFFFFFF  }
0xc5: {  	_ =	shalt  }
tec
execute0_lowered:
.L_overlay_start_1:
0x0: {  	(tag) =	ssettag $0x1  }
0x1: {  	s0 =	rddreg [dreg:$0x0]  }
0x2: {  	s1 =	rddreg [dreg:$0x1]  }
0x3: {  	s3 =	rddreg [dreg:$0x2];
	s2 =	simm.s32 $0x0;
	s6 =	stileid.u32  }
0x4: {  	s5 =	srdreg.scid;
	s12 =	simm.s32 $0x1;
	s13 =	simm.s32 $0x2  }
0x5: {  	s14 =	simm.s32 $0x10000;
	s16 =	simm.s32 $0x400;
	s17 =	simm.s32 $0x10400  }
0x6: {  	s18 =	simm.s32 $0x3;
	s19 =	simm.s32 $0x0;
	[smem:$0x7FF] =	sst s2  }
0x7: {  	s4 =	sshll.u32 s6, $0x6;
	s5 =	sand.u32 $0x1, s5;
	s6 =	sshll.u32 s6, $0x1  }
0x8: {  	_ =	strace $0x80000047;
	s4 =	sand.u32 $0x300, s4;
	s29 =	sor.u32 s5, s6  }
0x9: {  	s28 =	ssub.s32 $0x2, s5;
	s7 =	sadd.s32 s4, s3;
	s6 =	sshll.u32 s29, $0xC  }
0xa: {  	s30 =	sshrl.u32 s28, $0x1;
	s4 =	sshll.u32 s29, $0x4;
	s3 =	sadd.s32 s0, s6  }
0xb: {  	s31 =	sand.u32 $0x70, s4;
	s4 =	sadd.s32 s1, s6;
	s6 =	sor.u32 $0x800, s6  }
0xc: {  	v0 =	vimm.f32 $0.0e+00;
	v1 =	vlaneseq.u32;
	s8 =	ssub.s32 s28, s30;
	s7 =	sadd.s32 s31, s7;
	s5 =	sadd.s32 s0, s6  }
0xd: {  	v2 =	vor.u32 $0x100, v1;
	v3 =	vor.u32 $0x200, v1;
	v4 =	vor.u32 $0x300, v1;
	s6 =	sadd.s32 s1, s6;
	s8 =	smax.u32 s8, $0x1;
	s7 =	sadd.s32 $0x600, s7  }
.LBB2_1:
0xe: {  	[tilespmem:s2], [sflag:$0x1] =	stream.linear.gather [hbm4b:s3+s2], $0x4000, $0x38;
	[tilespmem:$0x10500] =	vst v63  }
0xf: {  	s0 =	simm.s32 $0x8000  }
0x10: {  	[tilespmem:s0], [sflag:$0x1] =	stream.linear.gather [hbm4b:s4+s2], $0x4000, $0x38;
	[tilespmem:$0x10500] =	vst v63  }
0x11: {  	s25 =	simm.s32 $0x4000  }
0x12: {  	[tilespmem:s25], [sflag:$0x2] =	stream.linear.gather [hbm4b:s5+s2], $0x4000, $0x38;
	[tilespmem:$0x10500] =	vst v63  }
0x13: {  	s26 =	simm.s32 $0xC000  }
0x14: {  	[tilespmem:s26], [sflag:$0x2] =	stream.linear.gather [hbm4b:s6+s2], $0x4000, $0x38;
	[tilespmem:$0x10500] =	vst v63  }
0x15: {  	[tilespmem:$0x10000] =	vst v0  }
0x16: {  	[tilespmem:$0x10010] =	vst v0  }
0x17: {  	[tilespmem:$0x10020] =	vst v0  }
0x18: {  	[tilespmem:$0x10030] =	vst v0  }
0x19: {  	[tilespmem:$0x10040] =	vst v0  }
0x1a: {  	[tilespmem:$0x10050] =	vst v0  }
0x1b: {  	[tilespmem:$0x10060] =	vst v0  }
0x1c: {  	[tilespmem:$0x10070] =	vst v0  }
0x1d: {  	[tilespmem:$0x10080] =	vst v0  }
0x1e: {  	[tilespmem:$0x10090] =	vst v0  }
0x1f: {  	[tilespmem:$0x100A0] =	vst v0  }
0x20: {  	[tilespmem:$0x100B0] =	vst v0  }
0x21: {  	[tilespmem:$0x100C0] =	vst v0  }
0x22: {  	[tilespmem:$0x100D0] =	vst v0  }
0x23: {  	[tilespmem:$0x100E0] =	vst v0  }
0x24: {  	[tilespmem:$0x100F0] =	vst v0  }
0x25: {  	[tilespmem:$0x10100] =	vst v0  }
0x26: {  	[tilespmem:$0x10110] =	vst v0  }
0x27: {  	[tilespmem:$0x10120] =	vst v0  }
0x28: {  	[tilespmem:$0x10130] =	vst v0  }
0x29: {  	[tilespmem:$0x10140] =	vst v0  }
0x2a: {  	[tilespmem:$0x10150] =	vst v0  }
0x2b: {  	[tilespmem:$0x10160] =	vst v0  }
0x2c: {  	[tilespmem:$0x10170] =	vst v0  }
0x2d: {  	[tilespmem:$0x10180] =	vst v0  }
0x2e: {  	[tilespmem:$0x10190] =	vst v0  }
0x2f: {  	[tilespmem:$0x101A0] =	vst v0  }
0x30: {  	[tilespmem:$0x101B0] =	vst v0  }
0x31: {  	[tilespmem:$0x101C0] =	vst v0  }
0x32: {  	[tilespmem:$0x101D0] =	vst v0  }
0x33: {  	[tilespmem:$0x101E0] =	vst v0  }
0x34: {  	[tilespmem:$0x101F0] =	vst v0  }
0x35: {  	[tilespmem:$0x10200] =	vst v0  }
0x36: {  	[tilespmem:$0x10210] =	vst v0  }
0x37: {  	[tilespmem:$0x10220] =	vst v0  }
0x38: {  	[tilespmem:$0x10230] =	vst v0  }
0x39: {  	[tilespmem:$0x10240] =	vst v0  }
0x3a: {  	[tilespmem:$0x10250] =	vst v0  }
0x3b: {  	[tilespmem:$0x10260] =	vst v0  }
0x3c: {  	[tilespmem:$0x10270] =	vst v0  }
0x3d: {  	[tilespmem:$0x10280] =	vst v0  }
0x3e: {  	[tilespmem:$0x10290] =	vst v0  }
0x3f: {  	[tilespmem:$0x102A0] =	vst v0  }
0x40: {  	[tilespmem:$0x102B0] =	vst v0  }
0x41: {  	[tilespmem:$0x102C0] =	vst v0  }
0x42: {  	[tilespmem:$0x102D0] =	vst v0  }
0x43: {  	[tilespmem:$0x102E0] =	vst v0  }
0x44: {  	[tilespmem:$0x102F0] =	vst v0  }
0x45: {  	[tilespmem:$0x10300] =	vst v0  }
0x46: {  	[tilespmem:$0x10310] =	vst v0  }
0x47: {  	[tilespmem:$0x10320] =	vst v0  }
0x48: {  	[tilespmem:$0x10330] =	vst v0  }
0x49: {  	[tilespmem:$0x10340] =	vst v0  }
0x4a: {  	[tilespmem:$0x10350] =	vst v0  }
0x4b: {  	[tilespmem:$0x10360] =	vst v0  }
0x4c: {  	[tilespmem:$0x10370] =	vst v0  }
0x4d: {  	[tilespmem:$0x10380] =	vst v0  }
0x4e: {  	[tilespmem:$0x10390] =	vst v0  }
0x4f: {  	[tilespmem:$0x103A0] =	vst v0  }
0x50: {  	[tilespmem:$0x103B0] =	vst v0  }
0x51: {  	[tilespmem:$0x103C0] =	vst v0  }
0x52: {  	[tilespmem:$0x103D0] =	vst v0  }
0x53: {  	[tilespmem:$0x103E0] =	vst v0  }
0x54: {  	[tilespmem:$0x103F0] =	vst v0  }
0x55: {  	_ =	swait.ge [sflag:s12], $0x4000  }
0x56: {  	[sflag:s12] =	ssyncset.done $0x0  }
0x57: {  	[sflag:s12] =	ssyncadd.s32 $0xFFFFC000  }
0x58: {  	_ =	swait.ge [sflag:s12], $0x4000  }
0x59: {  	[sflag:s12] =	ssyncset.done $0x0  }
0x5a: {  	[sflag:s12] =	ssyncadd.s32 $0xFFFFC000  }
0x5b: {  	_ =	swait.ge [sflag:s13], $0x4000  }
0x5c: {  	[sflag:s13] =	ssyncset.done $0x0  }
0x5d: {  	[sflag:s13] =	ssyncadd.s32 $0xFFFFC000  }
0x5e: {  	_ =	swait.ge [sflag:s13], $0x4000  }
0x5f: {  	[sflag:s13] =	ssyncset.done $0x0  }
0x60: {  	s9 =	simm.s32 $0x20;
	[sflag:s13] =	ssyncadd.s32 $0xFFFFC000  }
0x61: {  	v5 =	vld [tilespmem:s9+$0xFFFFFFE0];
	_ =	sdelay $0x4  }
0x62: {  	v5 =	vsub.f32 $0.0e+00, v5;
	_ =	sdelay $0x1  }
0x63: {  	v5 =	vmul.f32 $1.442695020e+00, v5;
	_ =	sdelay $0x1  }
0x64: {  	(erf) = vpow2.f32 v5;
	_ =	sdelay $0x7  }
0x65: {  	s10 =	simm.s32 $0x60  }
0x66: {  	v6 =	vld [tilespmem:s10+$0xFFFFFFE0];
	v5 =	vpop (erf)  }
0x67: {  	v5 =	vadd.f32 $1.000000000e+00, v5;
	_ =	sdelay $0x1  }
0x68: {  	(erf) = vrcp.f32 v5;
	_ =	sdelay $0x1  }
0x69: {  	v5 =	vsub.f32 $0.0e+00, v6;
	_ =	sdelay $0x1  }
0x6a: {  	v5 =	vmul.f32 $1.442695020e+00, v5;
	_ =	sdelay $0x1  }
0x6b: {  	(erf) = vpow2.f32 v5;
	_ =	sdelay $0x2  }
0x6c: {  	v5 =	vpop (erf)  }
0x6d: {  	v6 =	vmul.f32 $1.500000000e+01, v5;
	_ =	sdelay $0x1  }
0x6e: {  	v6 =	vmin.f32 v6, $1.400000000e+01  }
0x6f: {  	s1 =	simm.s32 $0x8020;
	v6 =	vtrunc.f32 v6  }
0x70: {  	v7 =	vld [tilespmem:s1+$0xFFFFFFE0];
	v6 =	vcvt.f32.s32 v6  }
0x71: {  	s0 =	simm.s32 $0xA0;
	v8 =	vpop (erf)  }
0x72: {  	v9 =	vld [tilespmem:s0+$0xFFFFFFE0];
	v8 =	vadd.f32 $1.000000000e+00, v8;
	v6 =	vshll.u32 v6, $0x4  }
0x73: {  	v6 =	vor.u32 v1, v6  }
0x74: {  	(erf) = vrcp.f32 v8;
	v6 =	vand.u32 $0xFF, v6  }
0x75: {  	v7 =	vcvt.s32.f32 v7;
	_ =	sdelay $0x1  }
0x76: {  	v5 =	vsub.f32 v5, v7;
	v7 =	vsub.f32 $0.0e+00, v9;
	_ =	sdelay $0x1  }
0x77: {  	[tilespmem:v6+s14+$0x0] =	vst.idx.add.f32.msk $0xffff, v5;
	v6 =	vmul.f32 $1.442695020e+00, v7;
	_ =	sdelay $0x1  }
0x78: {  	v5 =	vld [tilespmem:s9+$0xFFFFFFF0];
	_ =	sdelay $0x1  }
0x79: {  	(erf) = vpow2.f32 v6;
	v6 =	vpop (erf)  }
0x7a: {  	v7 =	vmul.f32 $1.500000000e+01, v6;
	_ =	sdelay $0x1  }
0x7b: {  	v5 =	vsub.f32 $0.0e+00, v5;
	v7 =	vmin.f32 v7, $1.400000000e+01  }
0x7c: {  	v7 =	vtrunc.f32 v7  }
0x7d: {  	v5 =	vmul.f32 $1.442695020e+00, v5;
	v7 =	vcvt.f32.s32 v7  }
0x7e: {  	s11 =	simm.s32 $0x8060  }
0x7f: {  	v8 =	vld [tilespmem:s11+$0xFFFFFFE0];
	(erf) = vpow2.f32 v5;
	_ =	sdelay $0x1  }
0x80: {  	v5 =	vshll.u32 v7, $0x4;
	v7 =	vpop (erf)  }
0x81: {  	s29 =	simm.s32 $0xE0;
	v5 =	vor.u32 v1, v5;
	v7 =	vadd.f32 $1.000000000e+00, v7  }
0x82: {  	v9 =	vld [tilespmem:s29+$0xFFFFFFE0];
	v5 =	vand.u32 $0xFF, v5  }
0x83: {  	v8 =	vcvt.s32.f32 v8;
	(erf) = vrcp.f32 v7;
	_ =	sdelay $0x1  }
0x84: {  	v6 =	vsub.f32 v6, v8;
	_ =	sdelay $0x1  }
0x85: {  	[tilespmem:v5+s14+$0x0] =	vst.idx.add.f32.msk $0xffff, v6;
	v6 =	vsub.f32 $0.0e+00, v9;
	v5 =	vpop (erf)  }
0x86: {  	v7 =	vld [tilespmem:s10+$0xFFFFFFF0];
	v5 =	vadd.f32 $1.000000000e+00, v5  }
0x87: {  	v6 =	vmul.f32 $1.442695020e+00, v6  }
0x88: {  	(erf) = vrcp.f32 v5  }
0x89: {  	(erf) = vpow2.f32 v6  }
0x8a: {  	v5 =	vpop (erf)  }
0x8b: {  	v7 =	vsub.f32 $0.0e+00, v7;
	v6 =	vmul.f32 $1.500000000e+01, v5;
	_ =	sdelay $0x1  }
0x8c: {  	s20 =	simm.s32 $0x80A0;
	v7 =	vmul.f32 $1.442695020e+00, v7;
	v6 =	vmin.f32 v6, $1.400000000e+01  }
0x8d: {  	v8 =	vld [tilespmem:s20+$0xFFFFFFE0];
	v6 =	vtrunc.f32 v6  }
0x8e: {  	v6 =	vcvt.f32.s32 v6  }
0x8f: {  	(erf) = vpow2.f32 v7  }
0x90: {  	v7 =	vpop (erf);
	v6 =	vshll.u32 v6, $0x4  }
0x91: {  	s26 =	simm.s32 $0x120;
	v9 =	vpop (erf);
	v6 =	vor.u32 v1, v6  }
0x92: {  	v10 =	vld [tilespmem:s26+$0xFFFFFFE0];
	v8 =	vcvt.s32.f32 v8;
	v9 =	vadd.f32 $1.000000000e+00, v9;
	v6 =	vand.u32 $0xFF, v6;
	_ =	sdelay $0x1  }
0x93: {  	v5 =	vsub.f32 v5, v8;
	(erf) = vrcp.f32 v9;
	_ =	sdelay $0x2  }
0x94: {  	[tilespmem:v6+s14+$0x0] =	vst.idx.add.f32.msk $0xffff, v5;
	v6 =	vsub.f32 $0.0e+00, v10  }
0x95: {  	v5 =	vpop (erf);
	v8 =	vld [tilespmem:s0+$0xFFFFFFF0]  }
0x96: {  	v5 =	vadd.f32 $1.000000000e+00, v5;
	v6 =	vmul.f32 $1.442695020e+00, v6;
	_ =	sdelay $0x1  }
0x97: {  	(erf) = vrcp.f32 v5  }
0x98: {  	v5 =	vmul.f32 $1.500000000e+01, v7;
	(erf) = vpow2.f32 v6  }
0x99: {  	v6 =	vpop (erf);
	v8 =	vsub.f32 $0.0e+00, v8  }
0x9a: {  	v5 =	vmin.f32 v5, $1.400000000e+01;
	v9 =	vmul.f32 $1.500000000e+01, v6  }
0x9b: {  	v10 =	vld [tilespmem:s1+$0xFFFFFFF0];
	v5 =	vtrunc.f32 v5;
	v8 =	vmul.f32 $1.442695020e+00, v8  }
0x9c: {  	v5 =	vcvt.f32.s32 v5;
	v9 =	vmin.f32 v9, $1.400000000e+01  }
0x9d: {  	s21 =	simm.s32 $0x80E0;
	v9 =	vtrunc.f32 v9;
	(erf) = vpow2.f32 v8  }
0x9e: {  	v5 =	vshll.u32 v5, $0x4;
	v8 =	vld [tilespmem:s21+$0xFFFFFFE0];
	v9 =	vcvt.f32.s32 v9  }
0x9f: {  	v5 =	vand.u32 $0xF0, v5  }
0xa0: {  	s30 =	simm.s32 $0x160;
	v10 =	vcvt.s32.f32 v10;
	v5 =	vor.u32 v2, v5;
	v11 =	vpop (erf);
	v9 =	vshll.u32 v9, $0x4  }
0xa1: {  	v13 =	vld [tilespmem:s30+$0xFFFFFFE0];
	v12 =	vpop (erf);
	v9 =	vor.u32 v1, v9  }
0xa2: {  	v7 =	vsub.f32 v7, v10;
	v12 =	vadd.f32 $1.000000000e+00, v12;
	v9 =	vand.u32 $0xFF, v9  }
0xa3: {  	v8 =	vcvt.s32.f32 v8  }
0xa4: {  	(erf) = vrcp.f32 v12  }
0xa5: {  	[tilespmem:v5+s14+$0x0] =	vst.idx.add.f32.msk $0xffff, v7;
	v5 =	vsub.f32 v6, v8  }
0xa6: {  	v6 =	vld [tilespmem:s9+$0x0];
	v8 =	vsub.f32 $0.0e+00, v13;
	v7 =	vpop (erf)  }
0xa7: {  	[tilespmem:v9+s14+$0x0] =	vst.idx.add.f32.msk $0xffff, v5;
	v5 =	vadd.f32 $1.000000000e+00, v7  }
0xa8: {  	v8 =	vmul.f32 $1.442695020e+00, v8  }
0xa9: {  	v7 =	vld [tilespmem:s29+$0xFFFFFFF0];
	(erf) = vrcp.f32 v5  }
0xaa: {  	(erf) = vpow2.f32 v8  }
0xab: {  	v6 =	vsub.f32 $0.0e+00, v6  }
0xac: {  	v5 =	vmul.f32 $1.500000000e+01, v11  }
0xad: {  	v6 =	vmul.f32 $1.442695020e+00, v6;
	v8 =	vpop (erf)  }
0xae: {  	v5 =	vmin.f32 v5, $1.400000000e+01;
	v9 =	vmul.f32 $1.500000000e+01, v8;
	v7 =	vsub.f32 $0.0e+00, v7  }
0xaf: {  	v10 =	vld [tilespmem:s11+$0xFFFFFFF0];
	v5 =	vtrunc.f32 v5;
	(erf) = vpow2.f32 v6  }
0xb0: {  	v5 =	vcvt.f32.s32 v5;
	v6 =	vmul.f32 $1.442695020e+00, v7  }
0xb1: {  	v7 =	vmin.f32 v9, $1.400000000e+01  }
0xb2: {  	s22 =	simm.s32 $0x8120;
	v5 =	vshll.u32 v5, $0x4;
	v7 =	vtrunc.f32 v7;
	(erf) = vpow2.f32 v6;
	v9 =	vpop (erf)  }
0xb3: {  	v5 =	vand.u32 $0xF0, v5;
	v6 =	vld [tilespmem:s22+$0xFFFFFFE0];
	v7 =	vcvt.f32.s32 v7;
	v12 =	vpop (erf)  }
0xb4: {  	v10 =	vcvt.s32.f32 v10;
	v5 =	vor.u32 v2, v5;
	v12 =	vadd.f32 $1.000000000e+00, v12  }
0xb5: {  	s28 =	simm.s32 $0x1A0;
	v7 =	vshll.u32 v7, $0x4  }
0xb6: {  	v10 =	vsub.f32 v11, v10;
	v11 =	vld [tilespmem:s28+$0xFFFFFFE0];
	v7 =	vor.u32 v1, v7  }
0xb7: {  	v7 =	vand.u32 $0xFF, v7  }
0xb8: {  	(erf) = vrcp.f32 v12;
	v6 =	vcvt.s32.f32 v6;
	v12 =	vpop (erf)  }
0xb9: {  	[tilespmem:v5+s14+$0x0] =	vst.idx.add.f32.msk $0xffff, v10;
	v5 =	vadd.f32 $1.000000000e+00, v12  }
0xba: {  	v10 =	vld [tilespmem:s10+$0x0];
	v6 =	vsub.f32 v8, v6  }
0xbb: {  	v8 =	vpop (erf);
	(erf) = vrcp.f32 v5;
	v5 =	vsub.f32 $0.0e+00, v11  }
0xbc: {  	[tilespmem:v7+s14+$0x0] =	vst.idx.add.f32.msk $0xffff, v6;
	v6 =	vadd.f32 $1.000000000e+00, v8  }
0xbd: {  	v5 =	vmul.f32 $1.442695020e+00, v5  }
0xbe: {  	v7 =	vld [tilespmem:s26+$0xFFFFFFF0];
	v8 =	vmul.f32 $1.500000000e+01, v9;
	(erf) = vrcp.f32 v6  }
0xbf: {  	v6 =	vsub.f32 $0.0e+00, v10;
	(erf) = vpow2.f32 v5  }
0xc0: {  	v8 =	vmin.f32 v8, $1.400000000e+01  }
0xc1: {  	v8 =	vtrunc.f32 v8;
	v6 =	vmul.f32 $1.442695020e+00, v6  }
0xc2: {  	v8 =	vcvt.f32.s32 v8;
	v5 =	vpop (erf)  }
0xc3: {  	v7 =	vsub.f32 $0.0e+00, v7;
	(erf) = vpow2.f32 v6;
	v6 =	vld [tilespmem:s20+$0xFFFFFFF0];
	v10 =	vmul.f32 $1.500000000e+01, v5  }
0xc4: {  	s23 =	simm.s32 $0x8160;
	v8 =	vshll.u32 v8, $0x4  }
0xc5: {  	v13 =	vld [tilespmem:s23+$0xFFFFFFE0];
	v7 =	vmul.f32 $1.442695020e+00, v7;
	v10 =	vmin.f32 v10, $1.400000000e+01;
	v11 =	vpop (erf)  }
0xc6: {  	v10 =	vtrunc.f32 v10;
	v12 =	vmul.f32 $1.500000000e+01, v11  }
0xc7: {  	(erf) = vpow2.f32 v7;
	v7 =	vand.u32 $0xF0, v8;
	v10 =	vcvt.f32.s32 v10;
	v8 =	vpop (erf)  }
0xc8: {  	v7 =	vor.u32 v2, v7;
	v6 =	vcvt.s32.f32 v6;
	v12 =	vmin.f32 v12, $1.400000000e+01;
	v14 =	vpop (erf)  }
0xc9: {  	v15 =	vld [tilespmem:s1+$0x0];
	v10 =	vshll.u32 v10, $0x4;
	v12 =	vtrunc.f32 v12;
	v14 =	vadd.f32 $1.000000000e+00, v14  }
0xca: {  	s31 =	simm.s32 $0x1E0;
	v13 =	vcvt.s32.f32 v13;
	v10 =	vor.u32 v1, v10;
	v12 =	vcvt.f32.s32 v12  }
0xcb: {  	v6 =	vsub.f32 v9, v6;
	v9 =	vand.u32 $0xFF, v10;
	v10 =	vld [tilespmem:s31+$0xFFFFFFE0];
	(erf) = vrcp.f32 v14  }
0xcc: {  	v5 =	vsub.f32 v5, v13;
	v12 =	vshll.u32 v12, $0x4  }
0xcd: {  	[tilespmem:v7+s14+$0x0] =	vst.idx.add.f32.msk $0xffff, v6;
	v7 =	vand.u32 $0xF0, v12;
	v14 =	vpop (erf)  }
0xce: {  	v13 =	vcvt.s32.f32 v15;
	v12 =	vld [tilespmem:s0+$0x0];
	v7 =	vor.u32 v3, v7;
	v6 =	vadd.f32 $1.000000000e+00, v14;
	_ =	sdelay $0x1  }
0xcf: {  	[tilespmem:v9+s14+$0x0] =	vst.idx.add.f32.msk $0xffff, v5;
	v5 =	vpop (erf);
	v9 =	vsub.f32 v11, v13;
	(erf) = vrcp.f32 v6;
	v6 =	vsub.f32 $0.0e+00, v10  }
0xd0: {  	v5 =	vadd.f32 $1.000000000e+00, v5;
	v10 =	vld [tilespmem:s30+$0xFFFFFFF0]  }
0xd1: {  	v6 =	vmul.f32 $1.442695020e+00, v6  }
0xd2: {  	(erf) = vrcp.f32 v5;
	v5 =	vsub.f32 $0.0e+00, v12;
	[tilespmem:v7+s14+$0x0] =	vst.idx.add.f32.msk $0xffff, v9;
	v7 =	vmul.f32 $1.500000000e+01, v8  }
0xd3: {  	(erf) = vpow2.f32 v6;
	v6 =	vld [tilespmem:s9+$0x10];
	v9 =	vpop (erf)  }
0xd4: {  	v5 =	vmul.f32 $1.442695020e+00, v5;
	v7 =	vmin.f32 v7, $1.400000000e+01;
	v12 =	vmul.f32 $1.500000000e+01, v9  }
0xd5: {  	v11 =	vld [tilespmem:s21+$0xFFFFFFF0];
	v10 =	vsub.f32 $0.0e+00, v10;
	v7 =	vtrunc.f32 v7  }
0xd6: {  	(erf) = vpow2.f32 v5;
	v7 =	vcvt.f32.s32 v7;
	v5 =	vmin.f32 v12, $1.400000000e+01  }
0xd7: {  	v10 =	vmul.f32 $1.442695020e+00, v10;
	v5 =	vtrunc.f32 v5  }
0xd8: {  	s24 =	simm.s32 $0x81A0;
	v12 =	vpop (erf);
	v6 =	vsub.f32 $0.0e+00, v6;
	v5 =	vcvt.f32.s32 v5  }
0xd9: {  	v14 =	vld [tilespmem:s24+$0xFFFFFFE0];
	v7 =	vshll.u32 v7, $0x4;
	(erf) = vpow2.f32 v10;
	v13 =	vmul.f32 $1.500000000e+01, v12  }
0xda: {  	s15 =	simm.s32 $0x8220;
	v10 =	vcvt.s32.f32 v11;
	v7 =	vand.u32 $0xF0, v7;
	v6 =	vmul.f32 $1.442695020e+00, v6  }
0xdb: {  	v18 =	vld [tilespmem:s15+$0xFFFFFFE0];
	v7 =	vor.u32 v2, v7;
	v15 =	vpop (erf);
	v5 =	vshll.u32 v5, $0x4;
	v13 =	vmin.f32 v13, $1.400000000e+01  }
0xdc: {  	v16 =	vld [tilespmem:s22+$0xFFFFFFF0];
	v5 =	vor.u32 v1, v5;
	v17 =	vpop (erf);
	v13 =	vtrunc.f32 v13;
	(erf) = vpow2.f32 v6  }
0xdd: {  	s25 =	simm.s32 $0x81E0;
	v6 =	vld [tilespmem:s11+$0x0];
	v5 =	vand.u32 $0xFF, v5;
	v17 =	vadd.f32 $1.000000000e+00, v17;
	v13 =	vcvt.f32.s32 v13  }
0xde: {  	v14 =	vcvt.s32.f32 v14;
	s9 =	simm.s32 $0x220;
	v11 =	vld [tilespmem:s25+$0xFFFFFFE0];
	v8 =	vsub.f32 v8, v10  }
0xdf: {  	v10 =	vld [tilespmem:s9+$0xFFFFFFE0];
	v13 =	vshll.u32 v13, $0x4  }
0xe0: {  	v9 =	vsub.f32 v9, v14;
	[tilespmem:v7+s14+$0x0] =	vst.idx.add.f32.msk $0xffff, v8;
	(erf) = vrcp.f32 v17;
	v8 =	vand.u32 $0xF0, v13  }
0xe1: {  	v13 =	vld [tilespmem:s29+$0x0];
	v17 =	vpop (erf);
	v14 =	vor.u32 v3, v8  }
0xe2: {  	v6 =	vcvt.s32.f32 v6;
	[tilespmem:v5+s14+$0x0] =	vst.idx.add.f32.msk $0xffff, v9;
	v7 =	vadd.f32 $1.000000000e+00, v17;
	v5 =	vpop (erf)  }
0xe3: {  	v8 =	vcvt.s32.f32 v11;
	v5 =	vadd.f32 $1.000000000e+00, v5  }
0xe4: {  	v11 =	vld [tilespmem:s28+$0xFFFFFFF0];
	v6 =	vsub.f32 v12, v6;
	(erf) = vrcp.f32 v7;
	v7 =	vsub.f32 $0.0e+00, v10  }
0xe5: {  	v12 =	vmul.f32 $1.500000000e+01, v15;
	v10 =	vld [tilespmem:s23+$0xFFFFFFF0]  }
0xe6: {  	v16 =	vcvt.s32.f32 v16;
	v7 =	vmul.f32 $1.442695020e+00, v7;
	[tilespmem:v14+s14+$0x0] =	vst.idx.add.f32.msk $0xffff, v6  }
0xe7: {  	v9 =	vcvt.s32.f32 v18;
	(erf) = vrcp.f32 v5;
	v13 =	vsub.f32 $0.0e+00, v13;
	v5 =	vpop (erf);
	v6 =	vld [tilespmem:s10+$0x10]  }
0xe8: {  	v5 =	vadd.f32 $1.000000000e+00, v5;
	(erf) = vpow2.f32 v7;
	v7 =	vmin.f32 v12, $1.400000000e+01  }
0xe9: {  	v13 =	vmul.f32 $1.442695020e+00, v13;
	v12 =	vpop (erf);
	v7 =	vtrunc.f32 v7  }
0xea: {  	(erf) = vrcp.f32 v5;
	v5 =	vmul.f32 $1.500000000e+01, v12  }
0xeb: {  	v14 =	vsub.f32 $0.0e+00, v11;
	v11 =	vcvt.s32.f32 v10;
	v7 =	vcvt.f32.s32 v7  }
0xec: {  	(erf) = vpow2.f32 v13;
	v5 =	vmin.f32 v5, $1.400000000e+01;
	v6 =	vsub.f32 $0.0e+00, v6  }
0xed: {  	v10 =	vsub.f32 v15, v16;
	v14 =	vmul.f32 $1.442695020e+00, v14;
	v5 =	vtrunc.f32 v5  }
0xee: {  	v13 =	vpop (erf);
	v16 =	vcvt.f32.s32 v5;
	v5 =	vshll.u32 v7, $0x4;
	v18 =	vmul.f32 $1.442695020e+00, v6  }
0xef: {  	(erf) = vpow2.f32 v14;
	v15 =	vmul.f32 $1.500000000e+01, v13;
	v7 =	vand.u32 $0xF0, v5  }
0xf0: {  	(erf) = vpow2.f32 v18;
	v18 =	vld [tilespmem:s20+$0x0]  }
0xf1: {  	v14 =	vpop (erf);
	v17 =	vmin.f32 v15, $1.400000000e+01;
	v19 =	vshll.u32 v16, $0x4;
	v16 =	vor.u32 v2, v7  }
0xf2: {  	v6 =	vld [tilespmem:s11+$0x10];
	v15 =	vmul.f32 $1.500000000e+01, v14;
	v20 =	vor.u32 v1, v19;
	v21 =	vtrunc.f32 v17;
	v7 =	vpop (erf)  }
0xf3: {  	s10 =	simm.s32 $0x20;
	s11 =	simm.s32 $0x260;
	v5 =	vld [tilespmem:s1+$0x10];
	s1 =	simm.s32 $0x8220;
	v17 =	vand.u32 $0xFF, v20;
	v20 =	vcvt.f32.s32 v21;
	v19 =	vadd.f32 $1.000000000e+00, v7;
	v7 =	vpop (erf)  }
.LBB2_2:
0xf4: {  	v21 =	vld [tilespmem:s11+$0xFFFFFFE0];
	s10 =	sadd.s32 $0x4, s10;
	s15 =	sadd.s32 $0x40, s15;
	v11 =	vsub.f32 v14, v11;
	v14 =	vmul.f32 $1.500000000e+01, v7  }
0xf5: {  	v22 =	vld [tilespmem:s15+$0xFFFFFFE0];
	p0 =	slt.u32 s10, $0x7FC;
	(erf) = vrcp.f32 v19;
	v19 =	vpop (erf);
	v18 =	vcvt.s32.f32 v18;
	v20 =	vshll.u32 v20, $0x4  }
0xf6: {  	v12 =	vsub.f32 v12, v8;
	[tilespmem:v16+s14+$0x0] =	vst.idx.add.f32.msk $0xffff, v10;
	v16 =	vadd.f32 $1.000000000e+00, v19;
	v20 =	vand.u32 $0xF0, v20;
	v10 =	vmovc v11  }
0xf7: {  	v8 =	vmov v9;
	v14 =	vmin.f32 v14, $1.400000000e+01;
	v11 =	vld [tilespmem:s26+$0x0];
	v19 =	vor.u32 v3, v20  }
0xf8: {  	[tilespmem:v17+s14+$0x0] =	vst.idx.add.f32.msk $0xffff, v12;
	v9 =	vpop (erf);
	(erf) = vrcp.f32 v16;
	v12 =	vsub.f32 v13, v18;
	v13 =	vtrunc.f32 v14  }
0xf9: {  	v20 =	vsub.f32 $0.0e+00, v21;
	v16 =	vld [tilespmem:s24+$0xFFFFFFF0];
	v9 =	vadd.f32 $1.000000000e+00, v9;
	v13 =	vcvt.f32.s32 v13  }
0xfa: {  	v15 =	vmin.f32 v15, $1.400000000e+01;
	v18 =	vcvt.s32.f32 v5;
	v5 =	vmov v6;
	v17 =	vld [tilespmem:s31+$0xFFFFFFF0]  }
0xfb: {  	v6 =	vmul.f32 $1.442695020e+00, v20;
	(erf) = vrcp.f32 v9;
	v14 =	vpop (erf);
	v13 =	vshll.u32 v13, $0x4  }
0xfc: {  	v9 =	vcvt.s32.f32 v22;
	v11 =	vsub.f32 $0.0e+00, v11;
	[tilespmem:v19+s14+$0x0] =	vst.idx.add.f32.msk $0xffff, v12;
	v14 =	vadd.f32 $1.000000000e+00, v14  }
0xfd: {  	v7 =	vsub.f32 v7, v18;
	v13 =	vand.u32 $0xF0, v13;
	(erf) = vpow2.f32 v6;
	v19 =	vld [tilespmem:s0+$0x10];
	s0 =	smov.u32 s29;
	s29 =	smov.u32 s26;
	s26 =	smov.u32 s30  }
0xfe: {  	v12 =	vpop (erf);
	v18 =	vmul.f32 $1.442695020e+00, v11;
	v6 =	vld [tilespmem:s20+$0x10];
	(erf) = vrcp.f32 v14;
	v14 =	vor.u32 v4, v13;
	s20 =	smov.u32 s21;
	s21 =	smov.u32 s22;
	s22 =	smov.u32 s23  }
0xff: {  	v11 =	vcvt.s32.f32 v16;
	s23 =	smov.u32 s24;
	s24 =	smov.u32 s25;
	s25 =	smov.u32 s1;
	v20 =	vmul.f32 $1.500000000e+01, v12;
	v17 =	vsub.f32 $0.0e+00, v17  }
0x100: {  	v15 =	vtrunc.f32 v15;
	s30 =	smov.u32 s28;
	s28 =	smov.u32 s31;
	s1 =	smov.u32 s15;
	(erf) = vpow2.f32 v18  }
0x101: {  	v15 =	vcvt.f32.s32 v15;
	s31 =	smov.u32 s9;
	s9 =	smov.u32 s11;
	v16 =	vmin.f32 v20, $1.400000000e+01;
	v17 =	vmul.f32 $1.442695020e+00, v17;
	v13 =	vpop (erf)  }
0x102: {  	v16 =	vtrunc.f32 v16;
	v20 =	vmul.f32 $1.500000000e+01, v13;
	v19 =	vsub.f32 $0.0e+00, v19  }
.Ltmp0:
0x103: {  	v15 =	vshll.u32 v15, $0x4;
	v16 =	vcvt.f32.s32 v16;
	(erf) = vpow2.f32 v17;
	[tilespmem:v14+s14+$0x0] =	vst.idx.add.f32.msk $0xffff, v7;
	(pc) =	sbr.rel @p0 .LBB2_2-.Ltmp0, $4  }
0x104: {  	v21 =	vand.u32 $0xF0, v15;
	v14 =	vpop (erf);
	v18 =	vld [tilespmem:s20+$0x0];
	v17 =	vmin.f32 v20, $1.400000000e+01;
	v19 =	vmul.f32 $1.442695020e+00, v19  }
0x105: {  	v20 =	vshll.u32 v16, $0x4;
	v15 =	vmul.f32 $1.500000000e+01, v14;
	v16 =	vor.u32 v2, v21  }
0x106: {  	v21 =	vtrunc.f32 v17;
	v7 =	vpop (erf);
	v20 =	vor.u32 v1, v20;
	(erf) = vpow2.f32 v19  }
0x107: {  	s11 =	sadd.s32 $0x40, s11;
	v19 =	vadd.f32 $1.000000000e+00, v7;
	v17 =	vand.u32 $0xFF, v20;
	v20 =	vcvt.f32.s32 v21;
	v7 =	vpop (erf)  }
0x108: {  	_ = 	snop  }
0x109: {  	v20 =	vshll.u32 v20, $0x4  }
0x10a: {  	v20 =	vand.u32 $0xF0, v20  }
0x10b: {  	v20 =	vor.u32 v3, v20  }
0x10c: {  	v8 =	vsub.f32 v12, v8;
	[tilespmem:v16+s14+$0x0] =	vst.idx.add.f32.msk $0xffff, v10;
	v18 =	vcvt.s32.f32 v18  }
0x10d: {  	v10 =	vld [tilespmem:s26+$0x0]  }
0x10e: {  	v34 =	vpop (erf);
	[tilespmem:v17+s14+$0x0] =	vst.idx.add.f32.msk $0xffff, v8;
	v35 =	vsub.f32 v13, v18  }
0x10f: {  	(erf) = vrcp.f32 v19;
	v12 =	vadd.f32 $1.000000000e+00, v34;
	v36 =	vld [tilespmem:s31+$0xFFFFFFF0]  }
0x110: {  	[tilespmem:v20+s14+$0x0] =	vst.idx.add.f32.msk $0xffff, v35  }
0x111: {  	v15 =	vmin.f32 v15, $1.400000000e+01;
	(erf) = vrcp.f32 v12;
	v8 =	vld [tilespmem:s0+$0x10]  }
0x112: {  	v15 =	vtrunc.f32 v15  }
0x113: {  	v15 =	vcvt.f32.s32 v15;
	v37 =	vpop (erf)  }
0x114: {  	v12 =	vadd.f32 $1.000000000e+00, v37;
	v10 =	vsub.f32 $0.0e+00, v10;
	v38 =	vpop (erf)  }
0x115: {  	v15 =	vshll.u32 v15, $0x4;
	v39 =	vadd.f32 $1.000000000e+00, v38;
	v13 =	vsub.f32 $0.0e+00, v36  }
0x116: {  	(erf) = vrcp.f32 v12;
	v10 =	vmul.f32 $1.442695020e+00, v10;
	v8 =	vsub.f32 $0.0e+00, v8  }
0x117: {  	v41 =	vand.u32 $0xF0, v15;
	(erf) = vrcp.f32 v39;
	v40 =	vmul.f32 $1.442695020e+00, v13  }
0x118: {  	v43 =	vor.u32 v2, v41;
	v42 =	vpop (erf);
	(erf) = vpow2.f32 v10;
	v8 =	vmul.f32 $1.442695020e+00, v8  }
0x119: {  	v44 =	vmul.f32 $1.500000000e+01, v42;
	(erf) = vpow2.f32 v40  }
0x11a: {  	v45 =	vpop (erf);
	(erf) = vpow2.f32 v8  }
0x11b: {  	v46 =	vsub.f32 v14, v11;
	v47 =	vmin.f32 v44, $1.400000000e+01;
	v48 =	vmul.f32 $1.500000000e+01, v45  }
0x11c: {  	v49 =	vld [tilespmem:s21+$0x0];
	v11 =	vtrunc.f32 v47  }
0x11d: {  	[tilespmem:v43+s14+$0x0] =	vst.idx.add.f32.msk $0xffff, v46;
	v11 =	vcvt.f32.s32 v11;
	v13 =	vmin.f32 v48, $1.400000000e+01  }
0x11e: {  	v10 =	vld [tilespmem:s30+$0x0];
	v50 =	vtrunc.f32 v13  }
0x11f: {  	v51 =	vpop (erf);
	v11 =	vshll.u32 v11, $0x4;
	v52 =	vcvt.f32.s32 v50  }
0x120: {  	v11 =	vor.u32 v1, v11;
	v8 =	vpop (erf)  }
0x121: {  	v11 =	vand.u32 $0xFF, v11;
	v16 =	vshll.u32 v52, $0x4;
	v53 =	vpop (erf)  }
0x122: {  	v14 =	vcvt.s32.f32 v49;
	v16 =	vand.u32 $0xF0, v16;
	v17 =	vadd.f32 $1.000000000e+00, v53;
	v54 =	vpop (erf)  }
0x123: {  	v10 =	vsub.f32 $0.0e+00, v10;
	v16 =	vor.u32 v3, v16;
	v18 =	vadd.f32 $1.000000000e+00, v54;
	v55 =	vpop (erf)  }
0x124: {  	v9 =	vsub.f32 v42, v9;
	(erf) = vrcp.f32 v17;
	v56 =	vadd.f32 $1.000000000e+00, v55  }
0x125: {  	v10 =	vmul.f32 $1.442695020e+00, v10;
	(erf) = vrcp.f32 v18  }
0x126: {  	v57 =	vsub.f32 v45, v14;
	[tilespmem:v11+s14+$0x0] =	vst.idx.add.f32.msk $0xffff, v9;
	(erf) = vrcp.f32 v56  }
0x127: {  	v11 =	vld [tilespmem:s9+$0xFFFFFFF0];
	(erf) = vpow2.f32 v10  }
0x128: {  	v58 =	vmul.f32 $1.500000000e+01, v51;
	[tilespmem:v16+s14+$0x0] =	vst.idx.add.f32.msk $0xffff, v57  }
0x129: {  	v9 =	vld [tilespmem:s29+$0x10]  }
0x12a: {  	v10 =	vmin.f32 v58, $1.400000000e+01  }
0x12b: {  	v10 =	vtrunc.f32 v10  }
0x12c: {  	v59 =	vld [tilespmem:s24+$0xFFFFFFF0];
	v11 =	vsub.f32 $0.0e+00, v11;
	v10 =	vcvt.f32.s32 v10  }
0x12d: {  	v60 =	vpop (erf)  }
0x12e: {  	v11 =	vmul.f32 $1.442695020e+00, v11;
	v61 =	vsub.f32 $0.0e+00, v9;
	v63 =	vpop (erf);
	v62 =	vshll.u32 v10, $0x4  }
0x12f: {  	v20 =	vmul.f32 $1.500000000e+01, v60;
	v21 =	vand.u32 $0xF0, v62;
	v9 =	vpop (erf)  }
0x130: {  	(erf) = vpow2.f32 v11;
	v22 =	vmul.f32 $1.442695020e+00, v61;
	v23 =	vor.u32 v2, v21;
	v24 =	vpop (erf)  }
0x131: {  	v12 =	vcvt.s32.f32 v59;
	v16 =	vmin.f32 v20, $1.400000000e+01;
	v17 =	vadd.f32 $1.000000000e+00, v24  }
0x132: {  	v16 =	vtrunc.f32 v16;
	(erf) = vpow2.f32 v22  }
0x133: {  	v26 =	vld [tilespmem:s22+$0x0];
	v25 =	vsub.f32 v51, v12;
	v27 =	vcvt.f32.s32 v16;
	(erf) = vrcp.f32 v17;
	_ =	sdelay $0x1  }
0x134: {  	v13 =	vshll.u32 v27, $0x4;
	[tilespmem:v23+s14+$0x0] =	vst.idx.add.f32.msk $0xffff, v25  }
0x135: {  	v28 =	vand.u32 $0xF0, v13;
	v29 =	vld [tilespmem:s28+$0x0]  }
0x136: {  	v11 =	vor.u32 v3, v28  }
0x137: {  	v12 =	vcvt.s32.f32 v26  }
0x138: {  	v30 =	vpop (erf)  }
0x139: {  	v12 =	vsub.f32 v60, v12;
	v31 =	vadd.f32 $1.000000000e+00, v30  }
0x13a: {  	v32 =	vmul.f32 $1.500000000e+01, v63;
	v33 =	vpop (erf);
	v13 =	vsub.f32 $0.0e+00, v29  }
0x13b: {  	(erf) = vrcp.f32 v31;
	[tilespmem:v11+s14+$0x0] =	vst.idx.add.f32.msk $0xffff, v12;
	v34 =	vadd.f32 $1.000000000e+00, v33;
	v35 =	vpop (erf)  }
0x13c: {  	v36 =	vmin.f32 v32, $1.400000000e+01;
	v37 =	vld [tilespmem:s26+$0x10];
	v13 =	vmul.f32 $1.442695020e+00, v13;
	v38 =	vmul.f32 $1.500000000e+01, v35  }
0x13d: {  	v39 =	vtrunc.f32 v36;
	(erf) = vrcp.f32 v34  }
0x13e: {  	v40 =	vld [tilespmem:s25+$0xFFFFFFF0];
	v11 =	vcvt.f32.s32 v39;
	(erf) = vpow2.f32 v13;
	v41 =	vmin.f32 v38, $1.400000000e+01  }
0x13f: {  	v13 =	vtrunc.f32 v41  }
0x140: {  	v42 =	vld [tilespmem:s23+$0x0];
	v11 =	vshll.u32 v11, $0x4;
	v13 =	vcvt.f32.s32 v13  }
0x141: {  	v11 =	vand.u32 $0xF0, v11;
	v15 =	vsub.f32 $0.0e+00, v37  }
0x142: {  	v11 =	vor.u32 v2, v11;
	v13 =	vshll.u32 v13, $0x4  }
0x143: {  	v14 =	vcvt.s32.f32 v40;
	v15 =	vmul.f32 $1.442695020e+00, v15;
	v13 =	vand.u32 $0xF0, v13  }
0x144: {  	v13 =	vor.u32 v3, v13  }
0x145: {  	v44 =	vcvt.s32.f32 v42;
	v14 =	vsub.f32 v63, v14;
	v43 =	vpop (erf);
	(erf) = vpow2.f32 v15  }
0x146: {  	v45 =	vpop (erf)  }
0x147: {  	v47 =	vsub.f32 v35, v44;
	[tilespmem:v11+s14+$0x0] =	vst.idx.add.f32.msk $0xffff, v14;
	v46 =	vpop (erf)  }
0x148: {  	v14 =	vld [tilespmem:s31+$0x0];
	v48 =	vadd.f32 $1.000000000e+00, v46  }
0x149: {  	v49 =	vmul.f32 $1.500000000e+01, v43;
	[tilespmem:v13+s14+$0x0] =	vst.idx.add.f32.msk $0xffff, v47  }
0x14a: {  	(erf) = vrcp.f32 v48;
	v11 =	vld [tilespmem:s30+$0x10]  }
0x14b: {  	v50 =	vmin.f32 v49, $1.400000000e+01  }
0x14c: {  	v12 =	vtrunc.f32 v50  }
0x14d: {  	v51 =	vld [tilespmem:s1+$0xFFFFFFF0];
	v12 =	vcvt.f32.s32 v12  }
0x14e: {  	v14 =	vsub.f32 $0.0e+00, v14;
	v52 =	vpop (erf)  }
0x14f: {  	v12 =	vshll.u32 v12, $0x4;
	v15 =	vadd.f32 $1.000000000e+00, v52;
	v11 =	vsub.f32 $0.0e+00, v11  }
0x150: {  	v12 =	vand.u32 $0xF0, v12;
	v14 =	vmul.f32 $1.442695020e+00, v14  }
0x151: {  	v12 =	vor.u32 v2, v12;
	(erf) = vrcp.f32 v15;
	v11 =	vmul.f32 $1.442695020e+00, v11  }
0x152: {  	v13 =	vcvt.s32.f32 v51;
	(erf) = vpow2.f32 v14  }
0x153: {  	v53 =	vpop (erf);
	(erf) = vpow2.f32 v11  }
0x154: {  	v54 =	vsub.f32 v43, v13;
	v55 =	vmul.f32 $1.500000000e+01, v53;
	_ =	sdelay $0x1  }
0x155: {  	[tilespmem:v12+s14+$0x0] =	vst.idx.add.f32.msk $0xffff, v54;
	v13 =	vmin.f32 v55, $1.400000000e+01  }
0x156: {  	v12 =	vld [tilespmem:s9+$0x0];
	v56 =	vtrunc.f32 v13  }
0x157: {  	v57 =	vld [tilespmem:s24+$0x0];
	v11 =	vcvt.f32.s32 v56;
	_ =	sdelay $0x1  }
0x158: {  	v15 =	vpop (erf);
	v11 =	vshll.u32 v11, $0x4  }
0x159: {  	v58 =	vpop (erf);
	v11 =	vand.u32 $0xF0, v11  }
0x15a: {  	v12 =	vsub.f32 $0.0e+00, v12;
	v16 =	vadd.f32 $1.000000000e+00, v58;
	v11 =	vor.u32 v3, v11;
	v59 =	vpop (erf)  }
0x15b: {  	v13 =	vcvt.s32.f32 v57;
	v17 =	vadd.f32 $1.000000000e+00, v59  }
0x15c: {  	v12 =	vmul.f32 $1.442695020e+00, v12;
	(erf) = vrcp.f32 v16  }
0x15d: {  	v13 =	vsub.f32 v53, v13;
	(erf) = vrcp.f32 v17  }
0x15e: {  	(erf) = vpow2.f32 v12  }
0x15f: {  	[tilespmem:v11+s14+$0x0] =	vst.idx.add.f32.msk $0xffff, v13  }
0x160: {  	v11 =	vld [tilespmem:s28+$0x10];
	_ =	sdelay $0x4  }
0x161: {  	v60 =	vpop (erf);
	v61 =	vsub.f32 $0.0e+00, v11  }
0x162: {  	v62 =	vpop (erf)  }
0x163: {  	v63 =	vmul.f32 $1.500000000e+01, v60;
	v13 =	vmul.f32 $1.442695020e+00, v61;
	v20 =	vpop (erf)  }
0x164: {  	v16 =	vadd.f32 $1.000000000e+00, v20  }
0x165: {  	v14 =	vmin.f32 v63, $1.400000000e+01;
	(erf) = vpow2.f32 v13  }
0x166: {  	v21 =	vtrunc.f32 v14;
	(erf) = vrcp.f32 v16  }
0x167: {  	v22 =	vld [tilespmem:s25+$0x0];
	v13 =	vcvt.f32.s32 v21;
	_ =	sdelay $0x1  }
0x168: {  	v13 =	vshll.u32 v13, $0x4  }
0x169: {  	v13 =	vand.u32 $0xF0, v13  }
0x16a: {  	v13 =	vor.u32 v3, v13  }
0x16b: {  	v14 =	vcvt.s32.f32 v22;
	_ =	sdelay $0x1  }
0x16c: {  	v12 =	vsub.f32 v60, v14;
	v23 =	vpop (erf)  }
0x16d: {  	v16 =	vpop (erf)  }
0x16e: {  	[tilespmem:v13+s14+$0x0] =	vst.idx.add.f32.msk $0xffff, v12;
	v24 =	vmul.f32 $1.500000000e+01, v16  }
0x16f: {  	v13 =	vld [tilespmem:s31+$0x10]  }
0x170: {  	v12 =	vmin.f32 v24, $1.400000000e+01  }
0x171: {  	v12 =	vtrunc.f32 v12  }
0x172: {  	v25 =	vld [tilespmem:s1+$0x0];
	v12 =	vcvt.f32.s32 v12;
	_ =	sdelay $0x1  }
0x173: {  	v13 =	vsub.f32 $0.0e+00, v13;
	v12 =	vshll.u32 v12, $0x4  }
0x174: {  	v14 =	vadd.f32 $1.000000000e+00, v23;
	v12 =	vand.u32 $0xF0, v12  }
0x175: {  	v13 =	vmul.f32 $1.442695020e+00, v13;
	v12 =	vor.u32 v3, v12  }
0x176: {  	v26 =	vcvt.s32.f32 v25;
	(erf) = vrcp.f32 v14  }
0x177: {  	(erf) = vpow2.f32 v13  }
0x178: {  	v27 =	vsub.f32 v16, v26;
	_ =	sdelay $0x1  }
0x179: {  	[tilespmem:v12+s14+$0x0] =	vst.idx.add.f32.msk $0xffff, v27  }
0x17a: {  	v12 =	vld [tilespmem:s9+$0x10];
	_ =	sdelay $0x3  }
0x17b: {  	v28 =	vpop (erf)  }
0x17c: {  	v29 =	vpop (erf);
	v12 =	vsub.f32 $0.0e+00, v12  }
0x17d: {  	v14 =	vadd.f32 $1.000000000e+00, v29  }
0x17e: {  	v12 =	vmul.f32 $1.442695020e+00, v12  }
0x17f: {  	(erf) = vrcp.f32 v14  }
0x180: {  	(erf) = vpow2.f32 v12  }
0x181: {  	v37 =	vld [tilespmem:s21+$0x10];
	_ =	sdelay $0x1  }
0x182: {  	v5 =	vcvt.s32.f32 v5  }
0x183: {  	v6 =	vcvt.s32.f32 v6  }
0x184: {  	v5 =	vsub.f32 v7, v5;
	v33 =	vmul.f32 $1.500000000e+01, v9  }
0x185: {  	v6 =	vsub.f32 v8, v6;
	v32 =	vld [tilespmem:s20+$0x10];
	v31 =	vmul.f32 $1.500000000e+01, v8;
	v8 =	vcvt.s32.f32 v37  }
0x186: {  	v38 =	vmul.f32 $1.500000000e+01, v45;
	v17 =	vmin.f32 v33, $1.400000000e+01;
	v47 =	vmul.f32 $1.500000000e+01, v62  }
0x187: {  	v30 =	vmul.f32 $1.500000000e+01, v7;
	v8 =	vsub.f32 v45, v8;
	v17 =	vtrunc.f32 v17;
	v35 =	vpop (erf)  }
0x188: {  	v40 =	vmin.f32 v38, $1.400000000e+01;
	v17 =	vcvt.f32.s32 v17;
	v48 =	vmin.f32 v47, $1.400000000e+01;
	v36 =	vpop (erf)  }
0x189: {  	v42 =	vtrunc.f32 v40;
	v19 =	vtrunc.f32 v48;
	v25 =	vld [tilespmem:s25+$0x10];
	v18 =	vadd.f32 $1.000000000e+00, v36  }
0x18a: {  	v17 =	vshll.u32 v17, $0x4;
	v19 =	vcvt.f32.s32 v19;
	v16 =	vcvt.s32.f32 v32  }
0x18b: {  	v41 =	vmul.f32 $1.500000000e+01, v15;
	v17 =	vand.u32 $0xF0, v17;
	(erf) = vrcp.f32 v18  }
0x18c: {  	v46 =	vld [tilespmem:s23+$0x10];
	v19 =	vshll.u32 v19, $0x4;
	v9 =	vsub.f32 v9, v16;
	v16 =	vcvt.f32.s32 v42  }
0x18d: {  	v43 =	vmin.f32 v41, $1.400000000e+01;
	v17 =	vor.u32 v4, v17;
	v19 =	vand.u32 $0xF0, v19  }
0x18e: {  	v54 =	vcvt.s32.f32 v25;
	v16 =	vshll.u32 v16, $0x4;
	v12 =	vmin.f32 v30, $1.400000000e+01  }
0x18f: {  	v49 =	vmul.f32 $1.500000000e+01, v28;
	v14 =	vmin.f32 v31, $1.400000000e+01;
	v12 =	vtrunc.f32 v12  }
0x190: {  	v45 =	vand.u32 $0xF0, v16;
	v14 =	vtrunc.f32 v14;
	v12 =	vcvt.f32.s32 v12  }
0x191: {  	v24 =	vld [tilespmem:s24+$0x10];
	v16 =	vcvt.s32.f32 v46;
	v20 =	vmin.f32 v49, $1.400000000e+01;
	v34 =	vcvt.f32.s32 v14  }
0x192: {  	v20 =	vtrunc.f32 v20;
	v12 =	vshll.u32 v12, $0x4;
	v21 =	vmul.f32 $1.500000000e+01, v35  }
0x193: {  	v20 =	vcvt.f32.s32 v20;
	v7 =	vand.u32 $0xF0, v12;
	v12 =	vshll.u32 v34, $0x4  }
0x194: {  	v7 =	vor.u32 v4, v7;
	v12 =	vand.u32 $0xF0, v12;
	v21 =	vmin.f32 v21, $1.400000000e+01;
	v22 =	vpop (erf)  }
0x195: {  	v12 =	vor.u32 v4, v12;
	v21 =	vtrunc.f32 v21;
	v23 =	vmul.f32 $1.500000000e+01, v22  }
0x196: {  	v10 =	vor.u32 v4, v45;
	v52 =	vcvt.s32.f32 v24;
	v21 =	vcvt.f32.s32 v21  }
0x197: {  	v39 =	vld [tilespmem:s22+$0x10];
	v20 =	vshll.u32 v20, $0x4;
	v18 =	vtrunc.f32 v43;
	v23 =	vmin.f32 v23, $1.400000000e+01  }
0x198: {  	v26 =	vld [tilespmem:s1+$0x10];
	v50 =	vshll.u32 v21, $0x4;
	v18 =	vcvt.f32.s32 v18;
	v23 =	vtrunc.f32 v23  }
0x199: {  	[tilespmem:v7+s14+$0x0] =	vst.idx.add.f32.msk $0xffff, v5;
	v5 =	vor.u32 v4, v19;
	v7 =	vand.u32 $0xF0, v20;
	v23 =	vcvt.f32.s32 v23  }
0x19a: {  	[tilespmem:v12+s14+$0x0] =	vst.idx.add.f32.msk $0xffff, v6;
	v6 =	vor.u32 v4, v7;
	v7 =	vand.u32 $0xF0, v50;
	v18 =	vshll.u32 v18, $0x4  }
0x19b: {  	v7 =	vor.u32 v4, v7;
	v18 =	vand.u32 $0xF0, v18;
	v51 =	vshll.u32 v23, $0x4  }
0x19c: {  	[tilespmem:v17+s14+$0x0] =	vst.idx.add.f32.msk $0xffff, v9;
	v53 =	vsub.f32 v62, v16;
	v18 =	vor.u32 v4, v18;
	v12 =	vand.u32 $0xF0, v51  }
0x19d: {  	v44 =	vcvt.s32.f32 v39;
	v9 =	vsub.f32 v28, v52;
	[tilespmem:v10+s14+$0x0] =	vst.idx.add.f32.msk $0xffff, v8;
	v55 =	vor.u32 v4, v12  }
0x19e: {  	v56 =	vcvt.s32.f32 v26;
	[tilespmem:v5+s14+$0x0] =	vst.idx.add.f32.msk $0xffff, v53;
	v5 =	vsub.f32 v35, v54  }
0x19f: {  	v15 =	vsub.f32 v15, v44;
	[tilespmem:v6+s14+$0x0] =	vst.idx.add.f32.msk $0xffff, v9  }
0x1a0: {  	[tilespmem:v7+s14+$0x0] =	vst.idx.add.f32.msk $0xffff, v5;
	v6 =	vsub.f32 v22, v56  }
0x1a1: {  	[tilespmem:v18+s14+$0x0] =	vst.idx.add.f32.msk $0xffff, v15  }
0x1a2: {  	[tilespmem:v55+s14+$0x0] =	vst.idx.add.f32.msk $0xffff, v6  }
0x1a3: {  	v5 =	vld [tilespmem:$0x10000]  }
0x1a4: {  	v6 =	vld [tilespmem:$0x10100]  }
0x1a5: {  	v7 =	vld [tilespmem:$0x10200]  }
0x1a6: {  	v8 =	vld [tilespmem:$0x10300]  }
0x1a7: {  	v9 =	vld [tilespmem:$0x10010]  }
0x1a8: {  	v57 =	vld [tilespmem:$0x10110]  }
0x1a9: {  	v11 =	vld [tilespmem:$0x10210]  }
0x1aa: {  	v58 =	vld [tilespmem:$0x10310]  }
0x1ab: {  	v59 =	vld [tilespmem:$0x10020]  }
0x1ac: {  	v60 =	vld [tilespmem:$0x10120]  }
0x1ad: {  	v15 =	vld [tilespmem:$0x10220]  }
0x1ae: {  	v61 =	vld [tilespmem:$0x10320]  }
0x1af: {  	v17 =	vld [tilespmem:$0x10030]  }
0x1b0: {  	v18 =	vld [tilespmem:$0x10130]  }
0x1b1: {  	v62 =	vld [tilespmem:$0x10230]  }
0x1b2: {  	v63 =	vld [tilespmem:$0x10330]  }
0x1b3: {  	v48 =	vld [tilespmem:$0x10040]  }
0x1b4: {  	v49 =	vld [tilespmem:$0x10140]  }
0x1b5: {  	v50 =	vld [tilespmem:$0x10240]  }
0x1b6: {  	v51 =	vld [tilespmem:$0x10340]  }
0x1b7: {  	v52 =	vld [tilespmem:$0x10050]  }
0x1b8: {  	v53 =	vld [tilespmem:$0x10150]  }
0x1b9: {  	v27 =	vld [tilespmem:$0x10250]  }
0x1ba: {  	v28 =	vld [tilespmem:$0x10350]  }
0x1bb: {  	v29 =	vld [tilespmem:$0x10060]  }
0x1bc: {  	v30 =	vld [tilespmem:$0x10160]  }
0x1bd: {  	v31 =	vld [tilespmem:$0x10260]  }
0x1be: {  	v32 =	vld [tilespmem:$0x10360]  }
0x1bf: {  	v33 =	vld [tilespmem:$0x10070]  }
0x1c0: {  	v34 =	vld [tilespmem:$0x10170]  }
0x1c1: {  	v35 =	vld [tilespmem:$0x10270]  }
0x1c2: {  	v36 =	vld [tilespmem:$0x10370]  }
0x1c3: {  	v37 =	vld [tilespmem:$0x10080]  }
0x1c4: {  	v38 =	vld [tilespmem:$0x10180]  }
0x1c5: {  	v39 =	vld [tilespmem:$0x10280]  }
0x1c6: {  	v40 =	vld [tilespmem:$0x10380]  }
0x1c7: {  	v41 =	vld [tilespmem:$0x10090]  }
0x1c8: {  	v42 =	vld [tilespmem:$0x10190]  }
0x1c9: {  	v43 =	vld [tilespmem:$0x10290]  }
0x1ca: {  	v44 =	vld [tilespmem:$0x10390]  }
0x1cb: {  	v54 =	vld [tilespmem:$0x100B0]  }
0x1cc: {  	v55 =	vld [tilespmem:$0x101B0]  }
0x1cd: {  	v45 =	vld [tilespmem:$0x100A0]  }
0x1ce: {  	v46 =	vld [tilespmem:$0x101A0]  }
0x1cf: {  	v47 =	vld [tilespmem:$0x102A0];
	v5 =	vadd.f32 v6, v5;
	v9 =	vadd.f32 v57, v9  }
0x1d0: {  	v12 =	vld [tilespmem:$0x100C0];
	v56 =	vadd.f32 v18, v17;
	v37 =	vadd.f32 v38, v37  }
0x1d1: {  	v6 =	vld [tilespmem:$0x103A0];
	v10 =	vadd.f32 v55, v54;
	v5 =	vadd.f32 v7, v5  }
0x1d2: {  	v57 =	vld [tilespmem:$0x102B0];
	v7 =	vadd.f32 v60, v59;
	v9 =	vadd.f32 v11, v9  }
0x1d3: {  	v38 =	vld [tilespmem:$0x103D0];
	v11 =	vadd.f32 v62, v56;
	v60 =	vadd.f32 v53, v52  }
0x1d4: {  	v54 =	vld [tilespmem:$0x100F0];
	v62 =	vadd.f32 v30, v29;
	v30 =	vadd.f32 v34, v33  }
0x1d5: {  	v59 =	vld [tilespmem:$0x101C0];
	v5 =	vadd.f32 v8, v5;
	v7 =	vadd.f32 v15, v7  }
0x1d6: {  	v33 =	vld [tilespmem:$0x100D0];
	v9 =	vadd.f32 v58, v9;
	v58 =	vadd.f32 v49, v48  }
0x1d7: {  	v34 =	vld [tilespmem:$0x101D0];
	v11 =	vadd.f32 v63, v11;
	v17 =	vadd.f32 v27, v60  }
0x1d8: {  	v52 =	vld [tilespmem:$0x101E0];
	v19 =	vadd.f32 v31, v62;
	v21 =	vadd.f32 v35, v30  }
0x1d9: {  	v56 =	vld [tilespmem:$0x101F0];
	v49 =	vadd.f32 v42, v41;
	v10 =	vadd.f32 v57, v10  }
0x1da: {  	v8 =	vld [tilespmem:$0x103B0];
	v7 =	vadd.f32 v61, v7;
	v15 =	vadd.f32 v50, v58;
	[tilespmem:$0x10400] =	vst v5  }
0x1db: {  	v63 =	vld [tilespmem:$0x103C0];
	v17 =	vadd.f32 v28, v17;
	v5 =	vadd.f32 v32, v19;
	[tilespmem:$0x10410] =	vst v9  }
0x1dc: {  	v61 =	vld [tilespmem:$0x102C0];
	[tilespmem:$0x10430] =	vst v11;
	v15 =	vadd.f32 v51, v15;
	v51 =	vadd.f32 v46, v45  }
0x1dd: {  	v48 =	vadd.f32 v36, v21;
	v50 =	vld [tilespmem:$0x100E0];
	[tilespmem:$0x10420] =	vst v7;
	v7 =	vadd.f32 v39, v37  }
0x1de: {  	v35 =	vld [tilespmem:$0x102D0];
	v53 =	vadd.f32 v43, v49;
	[tilespmem:$0x10450] =	vst v17;
	v55 =	vadd.f32 v47, v51  }
0x1df: {  	v57 =	vld [tilespmem:$0x102E0];
	v62 =	vadd.f32 v56, v54;
	[tilespmem:$0x10460] =	vst v5;
	v7 =	vadd.f32 v40, v7  }
0x1e0: {  	v58 =	vld [tilespmem:$0x102F0];
	[tilespmem:$0x10470] =	vst v48;
	v5 =	vadd.f32 v6, v55;
	v6 =	vadd.f32 v59, v12  }
0x1e1: {  	v60 =	vld [tilespmem:$0x103E0];
	v11 =	vadd.f32 v44, v53;
	[tilespmem:$0x10440] =	vst v15;
	v59 =	vadd.f32 v34, v33  }
0x1e2: {  	[tilespmem:$0x10480] =	vst v7;
	v7 =	vadd.f32 v52, v50;
	v6 =	vadd.f32 v61, v6;
	v61 =	vld [tilespmem:$0x103F0]  }
0x1e3: {  	v8 =	vadd.f32 v8, v10;
	[tilespmem:$0x10490] =	vst v11;
	v9 =	vadd.f32 v35, v59  }
0x1e4: {  	[tilespmem:$0x104A0] =	vst v5;
	v5 =	vadd.f32 v63, v6;
	v6 =	vadd.f32 v57, v7  }
0x1e5: {  	[tilespmem:$0x104B0] =	vst v8;
	v7 =	vadd.f32 v38, v9;
	v63 =	vadd.f32 v58, v62  }
0x1e6: {  	[tilespmem:$0x104C0] =	vst v5;
	v5 =	vadd.f32 v60, v6  }
0x1e7: {  	s19 =	sadd.s32 $0x1, s19;
	[tilespmem:$0x104D0] =	vst v7;
	v6 =	vadd.f32 v61, v63  }
0x1e8: {  	p0 =	sne.s32 s19, s8;
	[tilespmem:$0x104E0] =	vst v5  }
.Ltmp1:
0x1e9: {  	s31 =	simm.s32 $0x80;
	[tilespmem:$0x104F0] =	vst v6;
	(pc) =	sbr.rel @p0 .LBB2_1-.Ltmp1, $4  }
0x1ea: {  	[hbm4b:s7+s31] =	stream.strided.scatter [tilespmem:s17], [sflag:$0x3], $0x100, s16, s31, $0x38;
	[tilespmem:$0x10500] =	vst v63  }
0x1eb: {  	_ =	swait.ge [sflag:s18], $0x100  }
0x1ec: {  	[sflag:s18] =	ssyncset.done $0x0  }
0x1ed: {  	[sflag:s18] =	ssyncadd.s32 $0xFFFFFF00  }
0x1ee: {  	_ =	sfence.sel $0x180000  }
0x1ef: {  	[bflag:$0x0] =	sbarrier.arrive $0xFFFF  }
0x1f0: {  	_ =	strace $0x90000047  }
0x1f1: {  	s0 =	stileid.u32;
	[bflag:$0x2] =	sbarrier.arrive $0xFFFF  }
0x1f2: {  	p0 =	sne.s32 s0, $0x0;
	s0 =	rddreg [dreg:$0x3]  }
0x1f3: {  	s0 =	sadd.s32 @!p0 $0x100000, s0  }
0x1f4: {  	[sflag:s0] =	ssyncadd.tile.s32 @!p0 $0x1;
	_ =	shalt  }
.Lfunc_end2:
_tile_overlayer_lowered:
.L_overlay_start_2:
0x1f5: {  	(tag) =	ssettag $0x2  }
0x1f6: {  	s0 =	rddreg [dreg:$0x0];
	s2 =	stileid.u32  }
0x1f7: {  	s1 =	rddreg [dreg:$0x1];
	p0 =	sne.s32 s2, $0x0  }
0x1f8: {  	s3 =	rddreg [dreg:$0x2];
	[bflag:$0x3] =	sbarrier.arrive $0xFFFF;
	s2 =	simm.s32 @!p0 $0x1C03  }
0x1f9: {  	[timem:s3], [sflag:s2] =	dma.local @!p0 [hbm:s0], s1  }
0x1fa: {  	s0 =	simm.s32 @!p0 $0x3  }
0x1fb: {  	_ =	swait.ge @!p0 [sflag:s0], s1  }
0x1fc: {  	s1 =	ssub.s32 @!p0 $0x0, s1;
	[sflag:s0] =	ssyncset.done @!p0 $0x0  }
0x1fd: {  	[sflag:s0] =	ssyncadd.s32 @!p0 s1  }
0x1fe: {  	[bflag:$0x3] =	sbarrier.arrive $0xFFFF  }
0x1ff: {  	_ =	shalt  }

</sc_bundles>
